<compile_context>
chip_gen: v7x
topology: tpu7x:2x2x1
jax: 0.10.2.dev20260603
libtpu: 0.0.44.dev20260713+nightly
codegen_flags: <defaults>
</compile_context>

<pallas_src>
import functools

import jax
import jax.numpy as jnp
from jax import lax
from jax.experimental import pallas as pl
from jax.experimental.pallas import tpu as pltpu
from jax.experimental.pallas import tpu_sc as plsc

_NC = 2
_NS = 16
_NW = _NC * _NS
_CH = 96
_NB = 4


def _bn_relu(y, g, be):
    mu = jnp.mean(y, axis=0, keepdims=True)
    var = jnp.mean((y - mu) * (y - mu), axis=0, keepdims=True)
    return jax.nn.relu(g * (y - mu) * lax.rsqrt(var + 1e-5) + be)


def _tc1_body(x_ref, W1_ref, b1_ref, g1_ref, be1_ref, W2_ref,
              b2_ref, g2_ref, be2_ref, h_ref):
    x = x_ref[...]
    y = jnp.dot(x, W1_ref[...], preferred_element_type=jnp.float32) + b1_ref[...]
    y = _bn_relu(y, g1_ref[...], be1_ref[...])
    y = jnp.dot(y, W2_ref[...], preferred_element_type=jnp.float32) + b2_ref[...]
    h_ref[...] = _bn_relu(y, g2_ref[...], be2_ref[...])


def _pool0_body(h_ref, batch_ref, l0w_ref, l0b_ref, p0_ref):
    G = p0_ref.shape[0]
    h = h_ref[...]
    z = jnp.dot(h, l0w_ref[...], preferred_element_type=jnp.float32) + l0b_ref[...]
    seg = lax.broadcasted_iota(jnp.int32, (G, 1), 0)
    oh = (seg == batch_ref[...]).astype(jnp.float32)
    p0_ref[...] = jnp.dot(oh, z, preferred_element_type=jnp.float32)


def _tc2_body(h_ref, p_ref, batch_ref, p0_ref, W3_ref, b3_ref,
              g3_ref, be3_ref, W4_ref, b4_ref, g4_ref, be4_ref, l1w_ref,
              l1b_ref, o_ref):
    G = o_ref.shape[0]
    N = h_ref.shape[0]
    agg = (p_ref[0] + p_ref[1])[:N]
    u = h_ref[...] + agg
    y = jnp.dot(u, W3_ref[...], preferred_element_type=jnp.float32) + b3_ref[...]
    y = _bn_relu(y, g3_ref[...], be3_ref[...])
    y = jnp.dot(y, W4_ref[...], preferred_element_type=jnp.float32) + b4_ref[...]
    h2 = _bn_relu(y, g4_ref[...], be4_ref[...])
    seg = lax.broadcasted_iota(jnp.int32, (G, 1), 0)
    oh = (seg == batch_ref[...]).astype(jnp.float32)
    s = jnp.dot(oh, h2, preferred_element_type=jnp.float32)
    out = p0_ref[...] + jnp.dot(s, l1w_ref[...],
                                preferred_element_type=jnp.float32) + l1b_ref[...]
    m = jnp.max(out, axis=-1, keepdims=True)
    e = jnp.exp(out - m)
    lse = jnp.log(jnp.sum(e, axis=-1, keepdims=True)) + m
    o_ref[...] = out - lse


def _sc_segment_sum(h, src, dst, pad_src, pad_dst, Np):
    N, H = h.shape
    E = src.shape[0]
    epw = E // _NW
    ch = _CH
    nb = _NB
    nch = (epw + ch - 1) // ch
    full = epw - (nch - 1) * ch
    pad = ch - full
    rps = Np // _NS
    mesh = plsc.VectorSubcoreMesh(core_axis_name="c", subcore_axis_name="s")
    nsteps = nch + 1
    njter = (nsteps + nb - 1) // nb
    zrows = min(rps, ch)

    @functools.partial(
        pl.kernel,
        mesh=mesh,
        out_type=jax.ShapeDtypeStruct((_NC, Np, H), jnp.float32),
        scratch_types=(
            [pltpu.VMEM((ch,), jnp.int32)] * nb
            + [pltpu.VMEM((ch,), jnp.int32)] * nb
            + [pltpu.VMEM((ch, H), jnp.float32)] * nb
            + [pltpu.VMEM_SHARED((Np, H), jnp.float32)]
            + [pltpu.SemaphoreType.DMA] * (3 * nb)
        ),
    )
    def k(h_hbm, src_hbm, dst_hbm, psrc_hbm, pdst_hbm, out_hbm, *refs):
        srcb = list(refs[0:nb])
        dstb = list(refs[nb:2 * nb])
        rows = list(refs[2 * nb:3 * nb])
        acc = refs[3 * nb]
        gs = list(refs[3 * nb + 1:3 * nb + 1 + nb])
        ss = list(refs[3 * nb + 1 + nb:3 * nb + 1 + 2 * nb])
        isem = list(refs[3 * nb + 1 + 2 * nb:3 * nb + 1 + 3 * nb])
        c = lax.axis_index("c")
        s = lax.axis_index("s")
        wid = s * _NC + c
        row0 = s * rps
        ebase = wid * epw
        def idx_start(i, b):
            if pad == 0:
                off = ebase + i * ch
                pltpu.async_copy(src_hbm.at[pl.ds(off, ch)], srcb[b], isem[b])
                pltpu.async_copy(dst_hbm.at[pl.ds(off, ch)], dstb[b], isem[b])
                return

            @pl.when(i < nch - 1)
            def _():
                off = ebase + i * ch
                pltpu.async_copy(src_hbm.at[pl.ds(off, ch)], srcb[b], isem[b])
                pltpu.async_copy(dst_hbm.at[pl.ds(off, ch)], dstb[b], isem[b])

            @pl.when(i == nch - 1)
            def _():
                off = ebase + i * ch
                poff = wid * pad
                pltpu.async_copy(src_hbm.at[pl.ds(off, full)],
                                 srcb[b].at[pl.ds(0, full)], isem[b])
                pltpu.async_copy(psrc_hbm.at[pl.ds(poff, pad)],
                                 srcb[b].at[pl.ds(full, pad)], isem[b])
                pltpu.async_copy(dst_hbm.at[pl.ds(off, full)],
                                 dstb[b].at[pl.ds(0, full)], isem[b])
                pltpu.async_copy(pdst_hbm.at[pl.ds(poff, pad)],
                                 dstb[b].at[pl.ds(full, pad)], isem[b])

        def idx_wait(i, b):
            if pad == 0:
                off = ebase + i * ch
                pltpu.make_async_copy(src_hbm.at[pl.ds(off, ch)], srcb[b],
                                      isem[b]).wait()
                pltpu.make_async_copy(dst_hbm.at[pl.ds(off, ch)], dstb[b],
                                      isem[b]).wait()
                return

            @pl.when(i < nch - 1)
            def _():
                off = ebase + i * ch
                pltpu.make_async_copy(src_hbm.at[pl.ds(off, ch)], srcb[b],
                                      isem[b]).wait()
                pltpu.make_async_copy(dst_hbm.at[pl.ds(off, ch)], dstb[b],
                                      isem[b]).wait()

            @pl.when(i == nch - 1)
            def _():
                off = ebase + i * ch
                poff = wid * pad
                pltpu.make_async_copy(src_hbm.at[pl.ds(off, full)],
                                      srcb[b].at[pl.ds(0, full)],
                                      isem[b]).wait()
                pltpu.make_async_copy(psrc_hbm.at[pl.ds(poff, pad)],
                                      srcb[b].at[pl.ds(full, pad)],
                                      isem[b]).wait()
                pltpu.make_async_copy(dst_hbm.at[pl.ds(off, full)],
                                      dstb[b].at[pl.ds(0, full)],
                                      isem[b]).wait()
                pltpu.make_async_copy(pdst_hbm.at[pl.ds(poff, pad)],
                                      dstb[b].at[pl.ds(full, pad)],
                                      isem[b]).wait()

        z16 = jnp.zeros((16,), jnp.float32)

        def zstore(r, carry):
            for cc in range(H // 16):
                rows[nb - 1][r, pl.ds(cc * 16, 16)] = z16
            return carry

        lax.fori_loop(0, zrows, zstore, 0)
        nfull_z = rps // zrows
        for t in range(nfull_z):
            pltpu.sync_copy(rows[nb - 1].at[pl.ds(0, zrows)],
                            acc.at[pl.ds(row0 + t * zrows, zrows)])
        rem_z = rps - nfull_z * zrows
        if rem_z:
            pltpu.sync_copy(rows[nb - 1].at[pl.ds(0, rem_z)],
                            acc.at[pl.ds(row0 + nfull_z * zrows, rem_z)])
        plsc.subcore_barrier()

        idx_start(0, 0)

        def step(j, carry):
            for b in range(nb):
                i = nb * j + b
                b1 = (b + 1) % nb
                b2 = (b - 1) % nb

                @pl.when(i < nch)
                def _():
                    idx_wait(i, b)
                    pltpu.async_copy(h_hbm.at[srcb[b]], rows[b], gs[b])

                @pl.when(i + 1 < nch)
                def _():
                    @pl.when(i >= nb - 1)
                    def _():
                        pltpu.make_async_copy(
                            rows[b1], acc.at[dstb[b1]], ss[b1]).wait()

                    idx_start(i + 1, b1)

                @pl.when((i >= 1) & (i <= nch))
                def _():
                    pltpu.make_async_copy(h_hbm.at[srcb[b2]], rows[b2],
                                          gs[b2]).wait()
                    pltpu.async_copy(rows[b2], acc.at[dstb[b2]], ss[b2],
                                     add=True)

            return carry

        lax.fori_loop(0, njter, step, 0)
        for b in range(nb):
            pltpu.make_async_copy(rows[b], acc.at[dstb[b]], ss[b]).wait()
        plsc.subcore_barrier()
        pltpu.sync_copy(acc.at[pl.ds(row0, rps)],
                        out_hbm.at[c, pl.ds(row0, rps)])

    return k(h, src, dst, pad_src, pad_dst)


def kernel(x, edge_index, batch, W1, b1, g1, be1, W2, b2, g2, be2, lin0_W,
           lin0_b, W3, b3, g3, be3, W4, b4, g4, be4, lin1_W, lin1_b):
    N, D = x.shape
    H = W1.shape[1]
    C = lin0_W.shape[1]
    G = 128
    f32 = jnp.float32
    batch_r = batch.reshape(1, N)
    r1 = lambda v: v.reshape(1, -1)

    h = pl.pallas_call(
        _tc1_body,
        out_shape=jax.ShapeDtypeStruct((N, H), f32),
    )(x, W1, r1(b1), r1(g1), r1(be1), W2, r1(b2), r1(g2), r1(be2))

    Np = ((N + 127) // 128) * 128
    E = edge_index.shape[1]
    epw = E // _NW
    pad = ((epw + _CH - 1) // _CH) * _CH - epw
    if pad:
        pad_iota = jax.lax.broadcasted_iota(jnp.int32, (_NW, pad), 1)
        wid_iota = jax.lax.broadcasted_iota(jnp.int32, (_NW, pad), 0)
        pad_src = ((pad_iota + wid_iota * pad) % N).reshape(-1)
        pad_dst = (N + (pad_iota + wid_iota) % (Np - N)).reshape(-1)
    else:
        pad_src = jnp.zeros((8,), jnp.int32)
        pad_dst = jnp.full((8,), N, jnp.int32)
    partials = _sc_segment_sum(h, edge_index[0], edge_index[1], pad_src,
                               pad_dst, Np)

    pooled0 = pl.pallas_call(
        _pool0_body,
        out_shape=jax.ShapeDtypeStruct((G, C), f32),
    )(h, batch_r, lin0_W, r1(lin0_b))

    out = pl.pallas_call(
        _tc2_body,
        out_shape=jax.ShapeDtypeStruct((G, C), f32),
    )(h, partials, batch_r, pooled0, W3, r1(b3), r1(g3),
      r1(be3), W4, r1(b4), r1(g4), r1(be4), lin1_W, r1(lin1_b))
    return out

# --- scband reference (transcript-rebuilt; emitter-appended) ---
"""Pipeline reference for scband-gin-63264868270409 (READ-ONLY COPY).

The authoritative reference and input builder live on the scoring server;
editing this copy changes nothing except your own understanding.
"""

import jax, jax.numpy as jnp
import numpy as np

N = 10000
E = 320000
D = 128
H = 128
C = 32
G = 128


def _bn(x, g, b):
    mu = jnp.mean(x, axis=0)
    var = jnp.var(x, axis=0)
    return g * (x - mu) / jnp.sqrt(var + 1e-5) + b


def _mlp(x, W1, b1, g1, be1, W2, b2, g2, be2):
    x = jax.nn.relu(_bn(x @ W1 + b1, g1, be1))
    x = jax.nn.relu(_bn(x @ W2 + b2, g2, be2))
    return x


def setup_inputs(seed: int = 0) -> dict:
    key = jax.random.key(seed)
    ks = jax.random.split(key, 32)
    inp = {}
    inp["x"] = jax.random.normal(ks[0], (N, D), dtype=jnp.float32)
    inp["edge_index"] = jax.random.randint(ks[1], (2, E), 0, N, dtype=jnp.int32)
    inp["batch"] = jnp.sort(jax.random.randint(ks[2], (N,), 0, G, dtype=jnp.int32))
    s = 0.05
    # first_h: Linear(D,H), BN, ReLU, Linear(H,H), BN, ReLU
    inp["W1"] = jax.random.normal(ks[3], (D, H), dtype=jnp.float32) * s
    inp["b1"] = jnp.zeros((H,), dtype=jnp.float32)
    inp["g1"] = jnp.ones((H,), dtype=jnp.float32)
    inp["be1"] = jnp.zeros((H,), dtype=jnp.float32)
    inp["W2"] = jax.random.normal(ks[4], (H, H), dtype=jnp.float32) * s
    inp["b2"] = jnp.zeros((H,), dtype=jnp.float32)
    inp["g2"] = jnp.ones((H,), dtype=jnp.float32)
    inp["be2"] = jnp.zeros((H,), dtype=jnp.float32)
    # linears[0]: Linear(H, C)
    inp["lin0_W"] = jax.random.normal(ks[5], (H, C), dtype=jnp.float32) * s
    inp["lin0_b"] = jnp.zeros((C,), dtype=jnp.float32)
    # GINConv nn: Linear(H,H), BN, ReLU, Linear(H,H), BN, ReLU
    inp["W3"] = jax.random.normal(ks[6], (H, H), dtype=jnp.float32) * s
    inp["b3"] = jnp.zeros((H,), dtype=jnp.float32)
    inp["g3"] = jnp.ones((H,), dtype=jnp.float32)
    inp["be3"] = jnp.zeros((H,), dtype=jnp.float32)
    inp["W4"] = jax.random.normal(ks[7], (H, H), dtype=jnp.float32) * s
    inp["b4"] = jnp.zeros((H,), dtype=jnp.float32)
    inp["g4"] = jnp.ones((H,), dtype=jnp.float32)
    inp["be4"] = jnp.zeros((H,), dtype=jnp.float32)
    # linears[1]: Linear(H, C)
    inp["lin1_W"] = jax.random.normal(ks[8], (H, C), dtype=jnp.float32) * s
    inp["lin1_b"] = jnp.zeros((C,), dtype=jnp.float32)
    return inp


def reference(x, edge_index, batch, W1, b1, g1, be1, W2, b2, g2, be2, lin0_W, lin0_b, W3, b3, g3, be3, W4, b4, g4, be4, lin1_W, lin1_b):
    # layer 0: first_h then per-layer readout (dropout p=0.0 -> identity)
    h = _mlp(x, W1, b1, g1, be1, W2, b2, g2, be2)
    out = jax.ops.segment_sum(h @ lin0_W + lin0_b, batch, num_segments=G)
    # layer 1: GINConv with eps=0 (train_eps=False): nn((1+eps)*x + sum_{j in N(i)} x_j)
    src = edge_index[0]
    dst = edge_index[1]
    aggr = jax.ops.segment_sum(h[src], dst, num_segments=N)
    h2 = _mlp(h + aggr, W3, b3, g3, be3, W4, b4, g4, be4)
    out = out + (jax.ops.segment_sum(h2, batch, num_segments=G) @ lin1_W + lin1_b)
    return jax.nn.log_softmax(out, axis=-1)

if __name__ == "__main__":
    import jax
    _d = setup_inputs()
    print(jax.jit(kernel)(*tuple(_d.values())))

</pallas_src>

<mosaic_0001>
#map = affine_map<(d0, d1) -> (0, 0)>
#map1 = affine_map<(d0, d1) -> (0)>
#map2 = affine_map<(d0, d1) -> (0, 0, 0)>
module attributes {stable_mosaic.version = 14 : i64} {
  func.func @k(%arg0: i32, %arg1: i32, %arg2: memref<10000x128xf32, #tpu.memory_space<hbm>>, %arg3: memref<320000xi32, #tpu.memory_space<hbm>>, %arg4: memref<320000xi32, #tpu.memory_space<hbm>>, %arg5: memref<2560xi32, #tpu.memory_space<hbm>>, %arg6: memref<2560xi32, #tpu.memory_space<hbm>>, %arg7: memref<2x10112x128xf32, #tpu.memory_space<hbm>>, %arg8: memref<96xi32, #tpu.memory_space<vmem>>, %arg9: memref<96xi32, #tpu.memory_space<vmem>>, %arg10: memref<96xi32, #tpu.memory_space<vmem>>, %arg11: memref<96xi32, #tpu.memory_space<vmem>>, %arg12: memref<96xi32, #tpu.memory_space<vmem>>, %arg13: memref<96xi32, #tpu.memory_space<vmem>>, %arg14: memref<96xi32, #tpu.memory_space<vmem>>, %arg15: memref<96xi32, #tpu.memory_space<vmem>>, %arg16: memref<96x128xf32, #tpu.memory_space<vmem>>, %arg17: memref<96x128xf32, #tpu.memory_space<vmem>>, %arg18: memref<96x128xf32, #tpu.memory_space<vmem>>, %arg19: memref<96x128xf32, #tpu.memory_space<vmem>>, %arg20: memref<10112x128xf32, #tpu.memory_space<vmem_shared>>, %arg21: memref<!tpu.dma_semaphore, #tpu.memory_space<semaphore_mem>>, %arg22: memref<!tpu.dma_semaphore, #tpu.memory_space<semaphore_mem>>, %arg23: memref<!tpu.dma_semaphore, #tpu.memory_space<semaphore_mem>>, %arg24: memref<!tpu.dma_semaphore, #tpu.memory_space<semaphore_mem>>, %arg25: memref<!tpu.dma_semaphore, #tpu.memory_space<semaphore_mem>>, %arg26: memref<!tpu.dma_semaphore, #tpu.memory_space<semaphore_mem>>, %arg27: memref<!tpu.dma_semaphore, #tpu.memory_space<semaphore_mem>>, %arg28: memref<!tpu.dma_semaphore, #tpu.memory_space<semaphore_mem>>, %arg29: memref<!tpu.dma_semaphore, #tpu.memory_space<semaphore_mem>>, %arg30: memref<!tpu.dma_semaphore, #tpu.memory_space<semaphore_mem>>, %arg31: memref<!tpu.dma_semaphore, #tpu.memory_space<semaphore_mem>>, %arg32: memref<!tpu.dma_semaphore, #tpu.memory_space<semaphore_mem>>) attributes {dimension_semantics = [#tpu.dimension_semantics<core_parallel>, #tpu.dimension_semantics<subcore_parallel>], iteration_bounds = array<i64: 2, 16>, scalar_prefetch = 0 : i64, scratch_operands = 25 : i64, tpu.core_type = #tpu.core_type<sc_vector_subcore>, window_params = [{transform_indices = #map}, {transform_indices = #map1}, {transform_indices = #map1}, {transform_indices = #map1}, {transform_indices = #map1}, {transform_indices = #map2}]} {
    %mul3A = arith.constant 2 : i32
    %mul3A_0 = arith.muli %arg1, %mul3A : i32
    %add3A = arith.addi %mul3A_0, %arg0 : i32
    %mul3A_1 = arith.constant 632 : i32
    %mul3A_2 = arith.muli %arg1, %mul3A_1 : i32
    %mul3A_3 = arith.constant 10000 : i32
    %mul3A_4 = arith.muli %add3A, %mul3A_3 : i32
    %broadcast_in_dim3A = arith.constant 0.000000e+00 : f32
    %broadcast_in_dim3A_5 = vector.broadcast %broadcast_in_dim3A : f32 to vector<16xf32>
    %scan3A = arith.constant 0 : i32
    %scan3A_6 = arith.constant 0 : i32
    %scan3A_7 = arith.constant 96 : i32
    %scan3A_8 = arith.addi %scan3A_6, %scan3A_7 : i32
    %scan3A_9 = arith.constant 1 : i32
    scf.for %scan3A_48 = %scan3A_6 to %scan3A_8 step %scan3A_9  : i32 {
      %swap3A = arith.index_cast %scan3A_48 : i32 to index
      %swap3A_49 = arith.constant 0 : index
      %swap3A_50 = tpu.vector_load %arg19[%swap3A, %swap3A_49] {strides = array<i32>} : memref<96x128xf32, #tpu.memory_space<vmem>>, vector<1x16xf32>,
      %swap3A_51 = vector.shape_cast %swap3A_50 : vector<1x16xf32> to vector<16xf32>
      %swap3A_52 = vector.shape_cast %broadcast_in_dim3A_5 : vector<16xf32> to vector<1x16xf32>
      tpu.vector_store %arg19[%swap3A, %swap3A_49], %swap3A_52 {strides = array<i32>} : memref<96x128xf32, #tpu.memory_space<vmem>>, vector<1x16xf32>,
      %swap3A_53 = arith.index_cast %scan3A_48 : i32 to index
      %swap3A_54 = arith.constant 16 : index
      %swap3A_55 = tpu.vector_load %arg19[%swap3A_53, %swap3A_54] {strides = array<i32>} : memref<96x128xf32, #tpu.memory_space<vmem>>, vector<1x16xf32>,
      %swap3A_56 = vector.shape_cast %swap3A_55 : vector<1x16xf32> to vector<16xf32>
      %swap3A_57 = vector.shape_cast %broadcast_in_dim3A_5 : vector<16xf32> to vector<1x16xf32>
      tpu.vector_store %arg19[%swap3A_53, %swap3A_54], %swap3A_57 {strides = array<i32>} : memref<96x128xf32, #tpu.memory_space<vmem>>, vector<1x16xf32>,
      %swap3A_58 = arith.index_cast %scan3A_48 : i32 to index
      %swap3A_59 = arith.constant 32 : index
      %swap3A_60 = tpu.vector_load %arg19[%swap3A_58, %swap3A_59] {strides = array<i32>} : memref<96x128xf32, #tpu.memory_space<vmem>>, vector<1x16xf32>,
      %swap3A_61 = vector.shape_cast %swap3A_60 : vector<1x16xf32> to vector<16xf32>
      %swap3A_62 = vector.shape_cast %broadcast_in_dim3A_5 : vector<16xf32> to vector<1x16xf32>
      tpu.vector_store %arg19[%swap3A_58, %swap3A_59], %swap3A_62 {strides = array<i32>} : memref<96x128xf32, #tpu.memory_space<vmem>>, vector<1x16xf32>,
      %swap3A_63 = arith.index_cast %scan3A_48 : i32 to index
      %swap3A_64 = arith.constant 48 : index
      %swap3A_65 = tpu.vector_load %arg19[%swap3A_63, %swap3A_64] {strides = array<i32>} : memref<96x128xf32, #tpu.memory_space<vmem>>, vector<1x16xf32>,
      %swap3A_66 = vector.shape_cast %swap3A_65 : vector<1x16xf32> to vector<16xf32>
      %swap3A_67 = vector.shape_cast %broadcast_in_dim3A_5 : vector<16xf32> to vector<1x16xf32>
      tpu.vector_store %arg19[%swap3A_63, %swap3A_64], %swap3A_67 {strides = array<i32>} : memref<96x128xf32, #tpu.memory_space<vmem>>, vector<1x16xf32>,
      %swap3A_68 = arith.index_cast %scan3A_48 : i32 to index
      %swap3A_69 = arith.constant 64 : index
      %swap3A_70 = tpu.vector_load %arg19[%swap3A_68, %swap3A_69] {strides = array<i32>} : memref<96x128xf32, #tpu.memory_space<vmem>>, vector<1x16xf32>,
      %swap3A_71 = vector.shape_cast %swap3A_70 : vector<1x16xf32> to vector<16xf32>
      %swap3A_72 = vector.shape_cast %broadcast_in_dim3A_5 : vector<16xf32> to vector<1x16xf32>
      tpu.vector_store %arg19[%swap3A_68, %swap3A_69], %swap3A_72 {strides = array<i32>} : memref<96x128xf32, #tpu.memory_space<vmem>>, vector<1x16xf32>,
      %swap3A_73 = arith.index_cast %scan3A_48 : i32 to index
      %swap3A_74 = arith.constant 80 : index
      %swap3A_75 = tpu.vector_load %arg19[%swap3A_73, %swap3A_74] {strides = array<i32>} : memref<96x128xf32, #tpu.memory_space<vmem>>, vector<1x16xf32>,
      %swap3A_76 = vector.shape_cast %swap3A_75 : vector<1x16xf32> to vector<16xf32>
      %swap3A_77 = vector.shape_cast %broadcast_in_dim3A_5 : vector<16xf32> to vector<1x16xf32>
      tpu.vector_store %arg19[%swap3A_73, %swap3A_74], %swap3A_77 {strides = array<i32>} : memref<96x128xf32, #tpu.memory_space<vmem>>, vector<1x16xf32>,
      %swap3A_78 = arith.index_cast %scan3A_48 : i32 to index
      %swap3A_79 = arith.constant 96 : index
      %swap3A_80 = tpu.vector_load %arg19[%swap3A_78, %swap3A_79] {strides = array<i32>} : memref<96x128xf32, #tpu.memory_space<vmem>>, vector<1x16xf32>,
      %swap3A_81 = vector.shape_cast %swap3A_80 : vector<1x16xf32> to vector<16xf32>
      %swap3A_82 = vector.shape_cast %broadcast_in_dim3A_5 : vector<16xf32> to vector<1x16xf32>
      tpu.vector_store %arg19[%swap3A_78, %swap3A_79], %swap3A_82 {strides = array<i32>} : memref<96x128xf32, #tpu.memory_space<vmem>>, vector<1x16xf32>,
      %swap3A_83 = arith.index_cast %scan3A_48 : i32 to index
      %swap3A_84 = arith.constant 112 : index
      %swap3A_85 = tpu.vector_load %arg19[%swap3A_83, %swap3A_84] {strides = array<i32>} : memref<96x128xf32, #tpu.memory_space<vmem>>, vector<1x16xf32>,
      %swap3A_86 = vector.shape_cast %swap3A_85 : vector<1x16xf32> to vector<16xf32>
      %swap3A_87 = vector.shape_cast %broadcast_in_dim3A_5 : vector<16xf32> to vector<1x16xf32>
      tpu.vector_store %arg19[%swap3A_83, %swap3A_84], %swap3A_87 {strides = array<i32>} : memref<96x128xf32, #tpu.memory_space<vmem>>, vector<1x16xf32>,
    }
    %scan3A_10 = arith.constant 96 : i32
    %add3A_11 = arith.constant 0 : i32
    %add3A_12 = arith.addi %mul3A_2, %add3A_11 : i32
    "tpu.region"() ({
      %run_scoped3A = tpu.sem_alloc : memref<!tpu.dma_semaphore, #tpu.memory_space<semaphore_mem>>
      %dma_start3A_48 = arith.constant 0 : i32
      %dma_start3A_49 = arith.constant 0 : i32
      %dma_start3A_50 = tpu.memref_slice %arg19[%dma_start3A_48, %dma_start3A_49] : memref<96x128xf32, #tpu.memory_space<vmem>> -> memref<96x128xf32, #tpu.memory_space<vmem>>
      %dma_start3A_51 = arith.constant 0 : i32
      %dma_start3A_52 = tpu.memref_slice %arg20[%add3A_12, %dma_start3A_51] : memref<10112x128xf32, #tpu.memory_space<vmem_shared>> -> memref<96x128xf32, #tpu.memory_space<vmem_shared>>
      %dma_start3A_53 = arith.constant 0 : i32
      %dma_start3A_54 = tpu.memref_slice %arg20[%add3A_12, %dma_start3A_53] : memref<10112x128xf32, #tpu.memory_space<vmem_shared>> -> memref<96x128xf32, #tpu.memory_space<vmem_shared>>
      %dma_start3A_55 = arith.constant 0 : i32
      %dma_start3A_56 = arith.constant 0 : i32
      %dma_start3A_57 = tpu.memref_slice %arg19[%dma_start3A_55, %dma_start3A_56] : memref<96x128xf32, #tpu.memory_space<vmem>> -> memref<96x128xf32, #tpu.memory_space<vmem>>
      tpu.enqueue_dma source(%dma_start3A_57 : memref<96x128xf32, #tpu.memory_space<vmem>>) target(%dma_start3A_54 : memref<96x128xf32, #tpu.memory_space<vmem_shared>>) target_semaphore(%run_scoped3A : memref<!tpu.dma_semaphore, #tpu.memory_space<semaphore_mem>>)
      %dma_wait3A_58 = arith.constant 0 : i32
      %dma_wait3A_59 = arith.constant 0 : i32
      %dma_wait3A_60 = tpu.memref_slice %arg19[%dma_wait3A_58, %dma_wait3A_59] : memref<96x128xf32, #tpu.memory_space<vmem>> -> memref<96x128xf32, #tpu.memory_space<vmem>>
      %dma_wait3A_61 = arith.constant 0 : i32
      %dma_wait3A_62 = tpu.memref_slice %arg20[%add3A_12, %dma_wait3A_61] : memref<10112x128xf32, #tpu.memory_space<vmem_shared>> -> memref<96x128xf32, #tpu.memory_space<vmem_shared>>
      %dma_wait3A_63 = arith.constant 0 : i32
      %dma_wait3A_64 = tpu.memref_slice %arg20[%add3A_12, %dma_wait3A_63] : memref<10112x128xf32, #tpu.memory_space<vmem_shared>> -> memref<96x128xf32, #tpu.memory_space<vmem_shared>>
      %dma_wait3A_65 = arith.constant 0 : i32
      %dma_wait3A_66 = arith.constant 0 : i32
      %dma_wait3A_67 = tpu.memref_slice %arg19[%dma_wait3A_65, %dma_wait3A_66] : memref<96x128xf32, #tpu.memory_space<vmem>> -> memref<96x128xf32, #tpu.memory_space<vmem>>
      tpu.wait_dma2 semaphore(%run_scoped3A : memref<!tpu.dma_semaphore, #tpu.memory_space<semaphore_mem>>) src(%dma_wait3A_67 : memref<96x128xf32, #tpu.memory_space<vmem>>) dst(%dma_wait3A_64 : memref<96x128xf32, #tpu.memory_space<vmem_shared>>)
      tpu.yield
    }) : () -> ()
    %add3A_13 = arith.constant 96 : i32
    %add3A_14 = arith.addi %mul3A_2, %add3A_13 : i32
    "tpu.region"() ({
      %run_scoped3A = tpu.sem_alloc : memref<!tpu.dma_semaphore, #tpu.memory_space<semaphore_mem>>
      %dma_start3A_48 = arith.constant 0 : i32
      %dma_start3A_49 = arith.constant 0 : i32
      %dma_start3A_50 = tpu.memref_slice %arg19[%dma_start3A_48, %dma_start3A_49] : memref<96x128xf32, #tpu.memory_space<vmem>> -> memref<96x128xf32, #tpu.memory_space<vmem>>
      %dma_start3A_51 = arith.constant 0 : i32
      %dma_start3A_52 = tpu.memref_slice %arg20[%add3A_14, %dma_start3A_51] : memref<10112x128xf32, #tpu.memory_space<vmem_shared>> -> memref<96x128xf32, #tpu.memory_space<vmem_shared>>
      %dma_start3A_53 = arith.constant 0 : i32
      %dma_start3A_54 = tpu.memref_slice %arg20[%add3A_14, %dma_start3A_53] : memref<10112x128xf32, #tpu.memory_space<vmem_shared>> -> memref<96x128xf32, #tpu.memory_space<vmem_shared>>
      %dma_start3A_55 = arith.constant 0 : i32
      %dma_start3A_56 = arith.constant 0 : i32
      %dma_start3A_57 = tpu.memref_slice %arg19[%dma_start3A_55, %dma_start3A_56] : memref<96x128xf32, #tpu.memory_space<vmem>> -> memref<96x128xf32, #tpu.memory_space<vmem>>
      tpu.enqueue_dma source(%dma_start3A_57 : memref<96x128xf32, #tpu.memory_space<vmem>>) target(%dma_start3A_54 : memref<96x128xf32, #tpu.memory_space<vmem_shared>>) target_semaphore(%run_scoped3A : memref<!tpu.dma_semaphore, #tpu.memory_space<semaphore_mem>>)
      %dma_wait3A_58 = arith.constant 0 : i32
      %dma_wait3A_59 = arith.constant 0 : i32
      %dma_wait3A_60 = tpu.memref_slice %arg19[%dma_wait3A_58, %dma_wait3A_59] : memref<96x128xf32, #tpu.memory_space<vmem>> -> memref<96x128xf32, #tpu.memory_space<vmem>>
      %dma_wait3A_61 = arith.constant 0 : i32
      %dma_wait3A_62 = tpu.memref_slice %arg20[%add3A_14, %dma_wait3A_61] : memref<10112x128xf32, #tpu.memory_space<vmem_shared>> -> memref<96x128xf32, #tpu.memory_space<vmem_shared>>
      %dma_wait3A_63 = arith.constant 0 : i32
      %dma_wait3A_64 = tpu.memref_slice %arg20[%add3A_14, %dma_wait3A_63] : memref<10112x128xf32, #tpu.memory_space<vmem_shared>> -> memref<96x128xf32, #tpu.memory_space<vmem_shared>>
      %dma_wait3A_65 = arith.constant 0 : i32
      %dma_wait3A_66 = arith.constant 0 : i32
      %dma_wait3A_67 = tpu.memref_slice %arg19[%dma_wait3A_65, %dma_wait3A_66] : memref<96x128xf32, #tpu.memory_space<vmem>> -> memref<96x128xf32, #tpu.memory_space<vmem>>
      tpu.wait_dma2 semaphore(%run_scoped3A : memref<!tpu.dma_semaphore, #tpu.memory_space<semaphore_mem>>) src(%dma_wait3A_67 : memref<96x128xf32, #tpu.memory_space<vmem>>) dst(%dma_wait3A_64 : memref<96x128xf32, #tpu.memory_space<vmem_shared>>)
      tpu.yield
    }) : () -> ()
    %add3A_15 = arith.constant 192 : i32
    %add3A_16 = arith.addi %mul3A_2, %add3A_15 : i32
    "tpu.region"() ({
      %run_scoped3A = tpu.sem_alloc : memref<!tpu.dma_semaphore, #tpu.memory_space<semaphore_mem>>
      %dma_start3A_48 = arith.constant 0 : i32
      %dma_start3A_49 = arith.constant 0 : i32
      %dma_start3A_50 = tpu.memref_slice %arg19[%dma_start3A_48, %dma_start3A_49] : memref<96x128xf32, #tpu.memory_space<vmem>> -> memref<96x128xf32, #tpu.memory_space<vmem>>
      %dma_start3A_51 = arith.constant 0 : i32
      %dma_start3A_52 = tpu.memref_slice %arg20[%add3A_16, %dma_start3A_51] : memref<10112x128xf32, #tpu.memory_space<vmem_shared>> -> memref<96x128xf32, #tpu.memory_space<vmem_shared>>
      %dma_start3A_53 = arith.constant 0 : i32
      %dma_start3A_54 = tpu.memref_slice %arg20[%add3A_16, %dma_start3A_53] : memref<10112x128xf32, #tpu.memory_space<vmem_shared>> -> memref<96x128xf32, #tpu.memory_space<vmem_shared>>
      %dma_start3A_55 = arith.constant 0 : i32
      %dma_start3A_56 = arith.constant 0 : i32
      %dma_start3A_57 = tpu.memref_slice %arg19[%dma_start3A_55, %dma_start3A_56] : memref<96x128xf32, #tpu.memory_space<vmem>> -> memref<96x128xf32, #tpu.memory_space<vmem>>
      tpu.enqueue_dma source(%dma_start3A_57 : memref<96x128xf32, #tpu.memory_space<vmem>>) target(%dma_start3A_54 : memref<96x128xf32, #tpu.memory_space<vmem_shared>>) target_semaphore(%run_scoped3A : memref<!tpu.dma_semaphore, #tpu.memory_space<semaphore_mem>>)
      %dma_wait3A_58 = arith.constant 0 : i32
      %dma_wait3A_59 = arith.constant 0 : i32
      %dma_wait3A_60 = tpu.memref_slice %arg19[%dma_wait3A_58, %dma_wait3A_59] : memref<96x128xf32, #tpu.memory_space<vmem>> -> memref<96x128xf32, #tpu.memory_space<vmem>>
      %dma_wait3A_61 = arith.constant 0 : i32
      %dma_wait3A_62 = tpu.memref_slice %arg20[%add3A_16, %dma_wait3A_61] : memref<10112x128xf32, #tpu.memory_space<vmem_shared>> -> memref<96x128xf32, #tpu.memory_space<vmem_shared>>
      %dma_wait3A_63 = arith.constant 0 : i32
      %dma_wait3A_64 = tpu.memref_slice %arg20[%add3A_16, %dma_wait3A_63] : memref<10112x128xf32, #tpu.memory_space<vmem_shared>> -> memref<96x128xf32, #tpu.memory_space<vmem_shared>>
      %dma_wait3A_65 = arith.constant 0 : i32
      %dma_wait3A_66 = arith.constant 0 : i32
      %dma_wait3A_67 = tpu.memref_slice %arg19[%dma_wait3A_65, %dma_wait3A_66] : memref<96x128xf32, #tpu.memory_space<vmem>> -> memref<96x128xf32, #tpu.memory_space<vmem>>
      tpu.wait_dma2 semaphore(%run_scoped3A : memref<!tpu.dma_semaphore, #tpu.memory_space<semaphore_mem>>) src(%dma_wait3A_67 : memref<96x128xf32, #tpu.memory_space<vmem>>) dst(%dma_wait3A_64 : memref<96x128xf32, #tpu.memory_space<vmem_shared>>)
      tpu.yield
    }) : () -> ()
    %add3A_17 = arith.constant 288 : i32
    %add3A_18 = arith.addi %mul3A_2, %add3A_17 : i32
    "tpu.region"() ({
      %run_scoped3A = tpu.sem_alloc : memref<!tpu.dma_semaphore, #tpu.memory_space<semaphore_mem>>
      %dma_start3A_48 = arith.constant 0 : i32
      %dma_start3A_49 = arith.constant 0 : i32
      %dma_start3A_50 = tpu.memref_slice %arg19[%dma_start3A_48, %dma_start3A_49] : memref<96x128xf32, #tpu.memory_space<vmem>> -> memref<96x128xf32, #tpu.memory_space<vmem>>
      %dma_start3A_51 = arith.constant 0 : i32
      %dma_start3A_52 = tpu.memref_slice %arg20[%add3A_18, %dma_start3A_51] : memref<10112x128xf32, #tpu.memory_space<vmem_shared>> -> memref<96x128xf32, #tpu.memory_space<vmem_shared>>
      %dma_start3A_53 = arith.constant 0 : i32
      %dma_start3A_54 = tpu.memref_slice %arg20[%add3A_18, %dma_start3A_53] : memref<10112x128xf32, #tpu.memory_space<vmem_shared>> -> memref<96x128xf32, #tpu.memory_space<vmem_shared>>
      %dma_start3A_55 = arith.constant 0 : i32
      %dma_start3A_56 = arith.constant 0 : i32
      %dma_start3A_57 = tpu.memref_slice %arg19[%dma_start3A_55, %dma_start3A_56] : memref<96x128xf32, #tpu.memory_space<vmem>> -> memref<96x128xf32, #tpu.memory_space<vmem>>
      tpu.enqueue_dma source(%dma_start3A_57 : memref<96x128xf32, #tpu.memory_space<vmem>>) target(%dma_start3A_54 : memref<96x128xf32, #tpu.memory_space<vmem_shared>>) target_semaphore(%run_scoped3A : memref<!tpu.dma_semaphore, #tpu.memory_space<semaphore_mem>>)
      %dma_wait3A_58 = arith.constant 0 : i32
      %dma_wait3A_59 = arith.constant 0 : i32
      %dma_wait3A_60 = tpu.memref_slice %arg19[%dma_wait3A_58, %dma_wait3A_59] : memref<96x128xf32, #tpu.memory_space<vmem>> -> memref<96x128xf32, #tpu.memory_space<vmem>>
      %dma_wait3A_61 = arith.constant 0 : i32
      %dma_wait3A_62 = tpu.memref_slice %arg20[%add3A_18, %dma_wait3A_61] : memref<10112x128xf32, #tpu.memory_space<vmem_shared>> -> memref<96x128xf32, #tpu.memory_space<vmem_shared>>
      %dma_wait3A_63 = arith.constant 0 : i32
      %dma_wait3A_64 = tpu.memref_slice %arg20[%add3A_18, %dma_wait3A_63] : memref<10112x128xf32, #tpu.memory_space<vmem_shared>> -> memref<96x128xf32, #tpu.memory_space<vmem_shared>>
      %dma_wait3A_65 = arith.constant 0 : i32
      %dma_wait3A_66 = arith.constant 0 : i32
      %dma_wait3A_67 = tpu.memref_slice %arg19[%dma_wait3A_65, %dma_wait3A_66] : memref<96x128xf32, #tpu.memory_space<vmem>> -> memref<96x128xf32, #tpu.memory_space<vmem>>
      tpu.wait_dma2 semaphore(%run_scoped3A : memref<!tpu.dma_semaphore, #tpu.memory_space<semaphore_mem>>) src(%dma_wait3A_67 : memref<96x128xf32, #tpu.memory_space<vmem>>) dst(%dma_wait3A_64 : memref<96x128xf32, #tpu.memory_space<vmem_shared>>)
      tpu.yield
    }) : () -> ()
    %add3A_19 = arith.constant 384 : i32
    %add3A_20 = arith.addi %mul3A_2, %add3A_19 : i32
    "tpu.region"() ({
      %run_scoped3A = tpu.sem_alloc : memref<!tpu.dma_semaphore, #tpu.memory_space<semaphore_mem>>
      %dma_start3A_48 = arith.constant 0 : i32
      %dma_start3A_49 = arith.constant 0 : i32
      %dma_start3A_50 = tpu.memref_slice %arg19[%dma_start3A_48, %dma_start3A_49] : memref<96x128xf32, #tpu.memory_space<vmem>> -> memref<96x128xf32, #tpu.memory_space<vmem>>
      %dma_start3A_51 = arith.constant 0 : i32
      %dma_start3A_52 = tpu.memref_slice %arg20[%add3A_20, %dma_start3A_51] : memref<10112x128xf32, #tpu.memory_space<vmem_shared>> -> memref<96x128xf32, #tpu.memory_space<vmem_shared>>
      %dma_start3A_53 = arith.constant 0 : i32
      %dma_start3A_54 = tpu.memref_slice %arg20[%add3A_20, %dma_start3A_53] : memref<10112x128xf32, #tpu.memory_space<vmem_shared>> -> memref<96x128xf32, #tpu.memory_space<vmem_shared>>
      %dma_start3A_55 = arith.constant 0 : i32
      %dma_start3A_56 = arith.constant 0 : i32
      %dma_start3A_57 = tpu.memref_slice %arg19[%dma_start3A_55, %dma_start3A_56] : memref<96x128xf32, #tpu.memory_space<vmem>> -> memref<96x128xf32, #tpu.memory_space<vmem>>
      tpu.enqueue_dma source(%dma_start3A_57 : memref<96x128xf32, #tpu.memory_space<vmem>>) target(%dma_start3A_54 : memref<96x128xf32, #tpu.memory_space<vmem_shared>>) target_semaphore(%run_scoped3A : memref<!tpu.dma_semaphore, #tpu.memory_space<semaphore_mem>>)
      %dma_wait3A_58 = arith.constant 0 : i32
      %dma_wait3A_59 = arith.constant 0 : i32
      %dma_wait3A_60 = tpu.memref_slice %arg19[%dma_wait3A_58, %dma_wait3A_59] : memref<96x128xf32, #tpu.memory_space<vmem>> -> memref<96x128xf32, #tpu.memory_space<vmem>>
      %dma_wait3A_61 = arith.constant 0 : i32
      %dma_wait3A_62 = tpu.memref_slice %arg20[%add3A_20, %dma_wait3A_61] : memref<10112x128xf32, #tpu.memory_space<vmem_shared>> -> memref<96x128xf32, #tpu.memory_space<vmem_shared>>
      %dma_wait3A_63 = arith.constant 0 : i32
      %dma_wait3A_64 = tpu.memref_slice %arg20[%add3A_20, %dma_wait3A_63] : memref<10112x128xf32, #tpu.memory_space<vmem_shared>> -> memref<96x128xf32, #tpu.memory_space<vmem_shared>>
      %dma_wait3A_65 = arith.constant 0 : i32
      %dma_wait3A_66 = arith.constant 0 : i32
      %dma_wait3A_67 = tpu.memref_slice %arg19[%dma_wait3A_65, %dma_wait3A_66] : memref<96x128xf32, #tpu.memory_space<vmem>> -> memref<96x128xf32, #tpu.memory_space<vmem>>
      tpu.wait_dma2 semaphore(%run_scoped3A : memref<!tpu.dma_semaphore, #tpu.memory_space<semaphore_mem>>) src(%dma_wait3A_67 : memref<96x128xf32, #tpu.memory_space<vmem>>) dst(%dma_wait3A_64 : memref<96x128xf32, #tpu.memory_space<vmem_shared>>)
      tpu.yield
    }) : () -> ()
    %add3A_21 = arith.constant 480 : i32
    %add3A_22 = arith.addi %mul3A_2, %add3A_21 : i32
    "tpu.region"() ({
      %run_scoped3A = tpu.sem_alloc : memref<!tpu.dma_semaphore, #tpu.memory_space<semaphore_mem>>
      %dma_start3A_48 = arith.constant 0 : i32
      %dma_start3A_49 = arith.constant 0 : i32
      %dma_start3A_50 = tpu.memref_slice %arg19[%dma_start3A_48, %dma_start3A_49] : memref<96x128xf32, #tpu.memory_space<vmem>> -> memref<96x128xf32, #tpu.memory_space<vmem>>
      %dma_start3A_51 = arith.constant 0 : i32
      %dma_start3A_52 = tpu.memref_slice %arg20[%add3A_22, %dma_start3A_51] : memref<10112x128xf32, #tpu.memory_space<vmem_shared>> -> memref<96x128xf32, #tpu.memory_space<vmem_shared>>
      %dma_start3A_53 = arith.constant 0 : i32
      %dma_start3A_54 = tpu.memref_slice %arg20[%add3A_22, %dma_start3A_53] : memref<10112x128xf32, #tpu.memory_space<vmem_shared>> -> memref<96x128xf32, #tpu.memory_space<vmem_shared>>
      %dma_start3A_55 = arith.constant 0 : i32
      %dma_start3A_56 = arith.constant 0 : i32
      %dma_start3A_57 = tpu.memref_slice %arg19[%dma_start3A_55, %dma_start3A_56] : memref<96x128xf32, #tpu.memory_space<vmem>> -> memref<96x128xf32, #tpu.memory_space<vmem>>
      tpu.enqueue_dma source(%dma_start3A_57 : memref<96x128xf32, #tpu.memory_space<vmem>>) target(%dma_start3A_54 : memref<96x128xf32, #tpu.memory_space<vmem_shared>>) target_semaphore(%run_scoped3A : memref<!tpu.dma_semaphore, #tpu.memory_space<semaphore_mem>>)
      %dma_wait3A_58 = arith.constant 0 : i32
      %dma_wait3A_59 = arith.constant 0 : i32
      %dma_wait3A_60 = tpu.memref_slice %arg19[%dma_wait3A_58, %dma_wait3A_59] : memref<96x128xf32, #tpu.memory_space<vmem>> -> memref<96x128xf32, #tpu.memory_space<vmem>>
      %dma_wait3A_61 = arith.constant 0 : i32
      %dma_wait3A_62 = tpu.memref_slice %arg20[%add3A_22, %dma_wait3A_61] : memref<10112x128xf32, #tpu.memory_space<vmem_shared>> -> memref<96x128xf32, #tpu.memory_space<vmem_shared>>
      %dma_wait3A_63 = arith.constant 0 : i32
      %dma_wait3A_64 = tpu.memref_slice %arg20[%add3A_22, %dma_wait3A_63] : memref<10112x128xf32, #tpu.memory_space<vmem_shared>> -> memref<96x128xf32, #tpu.memory_space<vmem_shared>>
      %dma_wait3A_65 = arith.constant 0 : i32
      %dma_wait3A_66 = arith.constant 0 : i32
      %dma_wait3A_67 = tpu.memref_slice %arg19[%dma_wait3A_65, %dma_wait3A_66] : memref<96x128xf32, #tpu.memory_space<vmem>> -> memref<96x128xf32, #tpu.memory_space<vmem>>
      tpu.wait_dma2 semaphore(%run_scoped3A : memref<!tpu.dma_semaphore, #tpu.memory_space<semaphore_mem>>) src(%dma_wait3A_67 : memref<96x128xf32, #tpu.memory_space<vmem>>) dst(%dma_wait3A_64 : memref<96x128xf32, #tpu.memory_space<vmem_shared>>)
      tpu.yield
    }) : () -> ()
    %add3A_23 = arith.constant 576 : i32
    %add3A_24 = arith.addi %mul3A_2, %add3A_23 : i32
    "tpu.region"() ({
      %run_scoped3A = tpu.sem_alloc : memref<!tpu.dma_semaphore, #tpu.memory_space<semaphore_mem>>
      %dma_start3A_48 = arith.constant 0 : i32
      %dma_start3A_49 = arith.constant 0 : i32
      %dma_start3A_50 = tpu.memref_slice %arg19[%dma_start3A_48, %dma_start3A_49] : memref<96x128xf32, #tpu.memory_space<vmem>> -> memref<56x128xf32, #tpu.memory_space<vmem>>
      %dma_start3A_51 = arith.constant 0 : i32
      %dma_start3A_52 = tpu.memref_slice %arg20[%add3A_24, %dma_start3A_51] : memref<10112x128xf32, #tpu.memory_space<vmem_shared>> -> memref<56x128xf32, #tpu.memory_space<vmem_shared>>
      %dma_start3A_53 = arith.constant 0 : i32
      %dma_start3A_54 = tpu.memref_slice %arg20[%add3A_24, %dma_start3A_53] : memref<10112x128xf32, #tpu.memory_space<vmem_shared>> -> memref<56x128xf32, #tpu.memory_space<vmem_shared>>
      %dma_start3A_55 = arith.constant 0 : i32
      %dma_start3A_56 = arith.constant 0 : i32
      %dma_start3A_57 = tpu.memref_slice %arg19[%dma_start3A_55, %dma_start3A_56] : memref<96x128xf32, #tpu.memory_space<vmem>> -> memref<56x128xf32, #tpu.memory_space<vmem>>
      tpu.enqueue_dma source(%dma_start3A_57 : memref<56x128xf32, #tpu.memory_space<vmem>>) target(%dma_start3A_54 : memref<56x128xf32, #tpu.memory_space<vmem_shared>>) target_semaphore(%run_scoped3A : memref<!tpu.dma_semaphore, #tpu.memory_space<semaphore_mem>>)
      %dma_wait3A_58 = arith.constant 0 : i32
      %dma_wait3A_59 = arith.constant 0 : i32
      %dma_wait3A_60 = tpu.memref_slice %arg19[%dma_wait3A_58, %dma_wait3A_59] : memref<96x128xf32, #tpu.memory_space<vmem>> -> memref<56x128xf32, #tpu.memory_space<vmem>>
      %dma_wait3A_61 = arith.constant 0 : i32
      %dma_wait3A_62 = tpu.memref_slice %arg20[%add3A_24, %dma_wait3A_61] : memref<10112x128xf32, #tpu.memory_space<vmem_shared>> -> memref<56x128xf32, #tpu.memory_space<vmem_shared>>
      %dma_wait3A_63 = arith.constant 0 : i32
      %dma_wait3A_64 = tpu.memref_slice %arg20[%add3A_24, %dma_wait3A_63] : memref<10112x128xf32, #tpu.memory_space<vmem_shared>> -> memref<56x128xf32, #tpu.memory_space<vmem_shared>>
      %dma_wait3A_65 = arith.constant 0 : i32
      %dma_wait3A_66 = arith.constant 0 : i32
      %dma_wait3A_67 = tpu.memref_slice %arg19[%dma_wait3A_65, %dma_wait3A_66] : memref<96x128xf32, #tpu.memory_space<vmem>> -> memref<56x128xf32, #tpu.memory_space<vmem>>
      tpu.wait_dma2 semaphore(%run_scoped3A : memref<!tpu.dma_semaphore, #tpu.memory_space<semaphore_mem>>) src(%dma_wait3A_67 : memref<56x128xf32, #tpu.memory_space<vmem>>) dst(%dma_wait3A_64 : memref<56x128xf32, #tpu.memory_space<vmem_shared>>)
      tpu.yield
    }) : () -> ()
    %barrier3A = arith.constant 0 : index
    tpu.barrier barrier_id(%barrier3A)
    %add3A_25 = arith.constant 0 : i32
    %add3A_26 = arith.addi %mul3A_4, %add3A_25 : i32
    %dma_start3A = tpu.memref_slice %arg3[%add3A_26] : memref<320000xi32, #tpu.memory_space<hbm>> -> memref<96xi32, #tpu.memory_space<hbm>>
    %dma_start3A_27 = tpu.memref_slice %arg3[%add3A_26] : memref<320000xi32, #tpu.memory_space<hbm>> -> memref<96xi32, #tpu.memory_space<hbm>>
    tpu.enqueue_dma source(%dma_start3A_27 : memref<96xi32, #tpu.memory_space<hbm>>) target(%arg8 : memref<96xi32, #tpu.memory_space<vmem>>) target_semaphore(%arg29 : memref<!tpu.dma_semaphore, #tpu.memory_space<semaphore_mem>>)
    %dma_start3A_28 = tpu.memref_slice %arg4[%add3A_26] : memref<320000xi32, #tpu.memory_space<hbm>> -> memref<96xi32, #tpu.memory_space<hbm>>
    %dma_start3A_29 = tpu.memref_slice %arg4[%add3A_26] : memref<320000xi32, #tpu.memory_space<hbm>> -> memref<96xi32, #tpu.memory_space<hbm>>
    tpu.enqueue_dma source(%dma_start3A_29 : memref<96xi32, #tpu.memory_space<hbm>>) target(%arg12 : memref<96xi32, #tpu.memory_space<vmem>>) target_semaphore(%arg29 : memref<!tpu.dma_semaphore, #tpu.memory_space<semaphore_mem>>)
    %scan3A_30 = arith.constant 0 : i32
    %scan3A_31 = arith.constant 0 : i32
    %scan3A_32 = arith.constant 27 : i32
    %scan3A_33 = arith.addi %scan3A_31, %scan3A_32 : i32
    %scan3A_34 = arith.constant 1 : i32
    scf.for %scan3A_48 = %scan3A_31 to %scan3A_33 step %scan3A_34  : i32 {
      %mul3A_49 = arith.constant 4 : i32
      %mul3A_50 = arith.muli %mul3A_49, %scan3A_48 : i32
      %add3A_51 = arith.constant 0 : i32
      %add3A_52 = arith.addi %mul3A_50, %add3A_51 : i32
      %lt3A = arith.constant 105 : i32
      %lt3A_53 = arith.cmpi slt, %add3A_52, %lt3A : i32
      %convert_element_type3A = arith.extui %lt3A_53 : i1 to i32
      %cond3A = arith.constant 0 : i32
      %cond3A_54 = arith.cmpi ne, %convert_element_type3A, %cond3A : i32
      scf.if %cond3A_54 {
        %lt3A_139 = arith.constant 104 : i32
        %lt3A_140 = arith.cmpi slt, %add3A_52, %lt3A_139 : i32
        %convert_element_type3A_141 = arith.extui %lt3A_140 : i1 to i32
        %cond3A_142 = arith.constant 0 : i32
        %cond3A_143 = arith.cmpi ne, %convert_element_type3A_141, %cond3A_142 : i32
        scf.if %cond3A_143 {
          %mul3A_151 = arith.constant 96 : i32
          %mul3A_152 = arith.muli %add3A_52, %mul3A_151 : i32
          %add3A_153 = arith.addi %mul3A_4, %mul3A_152 : i32
          %dma_wait3A_154 = tpu.memref_slice %arg3[%add3A_153] : memref<320000xi32, #tpu.memory_space<hbm>> -> memref<96xi32, #tpu.memory_space<hbm>>
          %dma_wait3A_155 = tpu.memref_slice %arg3[%add3A_153] : memref<320000xi32, #tpu.memory_space<hbm>> -> memref<96xi32, #tpu.memory_space<hbm>>
          tpu.wait_dma2 semaphore(%arg29 : memref<!tpu.dma_semaphore, #tpu.memory_space<semaphore_mem>>) src(%dma_wait3A_155 : memref<96xi32, #tpu.memory_space<hbm>>) dst(%arg8 : memref<96xi32, #tpu.memory_space<vmem>>)
          %dma_wait3A_156 = tpu.memref_slice %arg4[%add3A_153] : memref<320000xi32, #tpu.memory_space<hbm>> -> memref<96xi32, #tpu.memory_space<hbm>>
          %dma_wait3A_157 = tpu.memref_slice %arg4[%add3A_153] : memref<320000xi32, #tpu.memory_space<hbm>> -> memref<96xi32, #tpu.memory_space<hbm>>
          tpu.wait_dma2 semaphore(%arg29 : memref<!tpu.dma_semaphore, #tpu.memory_space<semaphore_mem>>) src(%dma_wait3A_157 : memref<96xi32, #tpu.memory_space<hbm>>) dst(%arg12 : memref<96xi32, #tpu.memory_space<vmem>>)
        } else {
        }
        %eq3A = arith.constant 104 : i32
        %eq3A_144 = arith.cmpi eq, %add3A_52, %eq3A : i32
        %convert_element_type3A_145 = arith.extui %eq3A_144 : i1 to i32
        %cond3A_146 = arith.constant 0 : i32
        %cond3A_147 = arith.cmpi ne, %convert_element_type3A_145, %cond3A_146 : i32
        scf.if %cond3A_147 {
          %mul3A_151 = arith.constant 96 : i32
          %mul3A_152 = arith.muli %add3A_52, %mul3A_151 : i32
          %add3A_153 = arith.addi %mul3A_4, %mul3A_152 : i32
          %mul3A_154 = arith.constant 80 : i32
          %mul3A_155 = arith.muli %add3A, %mul3A_154 : i32
          %dma_wait3A_156 = arith.constant 0 : i32
          %dma_wait3A_157 = tpu.memref_slice %arg8[%dma_wait3A_156] : memref<96xi32, #tpu.memory_space<vmem>> -> memref<16xi32, #tpu.memory_space<vmem>>
          %dma_wait3A_158 = tpu.memref_slice %arg3[%add3A_153] : memref<320000xi32, #tpu.memory_space<hbm>> -> memref<16xi32, #tpu.memory_space<hbm>>
          %dma_wait3A_159 = arith.constant 0 : i32
          %dma_wait3A_160 = tpu.memref_slice %arg8[%dma_wait3A_159] : memref<96xi32, #tpu.memory_space<vmem>> -> memref<16xi32, #tpu.memory_space<vmem>>
          %dma_wait3A_161 = tpu.memref_slice %arg3[%add3A_153] : memref<320000xi32, #tpu.memory_space<hbm>> -> memref<16xi32, #tpu.memory_space<hbm>>
          tpu.wait_dma2 semaphore(%arg29 : memref<!tpu.dma_semaphore, #tpu.memory_space<semaphore_mem>>) src(%dma_wait3A_161 : memref<16xi32, #tpu.memory_space<hbm>>) dst(%dma_wait3A_160 : memref<16xi32, #tpu.memory_space<vmem>>)
          %dma_wait3A_162 = arith.constant 16 : i32
          %dma_wait3A_163 = tpu.memref_slice %arg8[%dma_wait3A_162] : memref<96xi32, #tpu.memory_space<vmem>> -> memref<80xi32, #tpu.memory_space<vmem>>
          %dma_wait3A_164 = tpu.memref_slice %arg5[%mul3A_155] : memref<2560xi32, #tpu.memory_space<hbm>> -> memref<80xi32, #tpu.memory_space<hbm>>
          %dma_wait3A_165 = arith.constant 16 : i32
          %dma_wait3A_166 = tpu.memref_slice %arg8[%dma_wait3A_165] : memref<96xi32, #tpu.memory_space<vmem>> -> memref<80xi32, #tpu.memory_space<vmem>>
          %dma_wait3A_167 = tpu.memref_slice %arg5[%mul3A_155] : memref<2560xi32, #tpu.memory_space<hbm>> -> memref<80xi32, #tpu.memory_space<hbm>>
          tpu.wait_dma2 semaphore(%arg29 : memref<!tpu.dma_semaphore, #tpu.memory_space<semaphore_mem>>) src(%dma_wait3A_167 : memref<80xi32, #tpu.memory_space<hbm>>) dst(%dma_wait3A_166 : memref<80xi32, #tpu.memory_space<vmem>>)
          %dma_wait3A_168 = arith.constant 0 : i32
          %dma_wait3A_169 = tpu.memref_slice %arg12[%dma_wait3A_168] : memref<96xi32, #tpu.memory_space<vmem>> -> memref<16xi32, #tpu.memory_space<vmem>>
          %dma_wait3A_170 = tpu.memref_slice %arg4[%add3A_153] : memref<320000xi32, #tpu.memory_space<hbm>> -> memref<16xi32, #tpu.memory_space<hbm>>
          %dma_wait3A_171 = arith.constant 0 : i32
          %dma_wait3A_172 = tpu.memref_slice %arg12[%dma_wait3A_171] : memref<96xi32, #tpu.memory_space<vmem>> -> memref<16xi32, #tpu.memory_space<vmem>>
          %dma_wait3A_173 = tpu.memref_slice %arg4[%add3A_153] : memref<320000xi32, #tpu.memory_space<hbm>> -> memref<16xi32, #tpu.memory_space<hbm>>
          tpu.wait_dma2 semaphore(%arg29 : memref<!tpu.dma_semaphore, #tpu.memory_space<semaphore_mem>>) src(%dma_wait3A_173 : memref<16xi32, #tpu.memory_space<hbm>>) dst(%dma_wait3A_172 : memref<16xi32, #tpu.memory_space<vmem>>)
          %dma_wait3A_174 = arith.constant 16 : i32
          %dma_wait3A_175 = tpu.memref_slice %arg12[%dma_wait3A_174] : memref<96xi32, #tpu.memory_space<vmem>> -> memref<80xi32, #tpu.memory_space<vmem>>
          %dma_wait3A_176 = tpu.memref_slice %arg6[%mul3A_155] : memref<2560xi32, #tpu.memory_space<hbm>> -> memref<80xi32, #tpu.memory_space<hbm>>
          %dma_wait3A_177 = arith.constant 16 : i32
          %dma_wait3A_178 = tpu.memref_slice %arg12[%dma_wait3A_177] : memref<96xi32, #tpu.memory_space<vmem>> -> memref<80xi32, #tpu.memory_space<vmem>>
          %dma_wait3A_179 = tpu.memref_slice %arg6[%mul3A_155] : memref<2560xi32, #tpu.memory_space<hbm>> -> memref<80xi32, #tpu.memory_space<hbm>>
          tpu.wait_dma2 semaphore(%arg29 : memref<!tpu.dma_semaphore, #tpu.memory_space<semaphore_mem>>) src(%dma_wait3A_179 : memref<80xi32, #tpu.memory_space<hbm>>) dst(%dma_wait3A_178 : memref<80xi32, #tpu.memory_space<vmem>>)
        } else {
        }
        %dma_start3A_148 = arith.constant 0 : i32
        %dma_start3A_149 = arith.constant 0 : i32
        %dma_start3A_150 = tpu.memref_slice %arg2[%dma_start3A_148, %dma_start3A_149] : memref<10000x128xf32, #tpu.memory_space<hbm>> -> memref<10000x128xf32, #tpu.memory_space<hbm>>
        tpu.enqueue_indirect_dma source(%dma_start3A_150 : memref<10000x128xf32, #tpu.memory_space<hbm>>) target(%arg16 : memref<96x128xf32, #tpu.memory_space<vmem>>) offsets(%arg8 : memref<96xi32, #tpu.memory_space<vmem>>) semaphore(%arg21 : memref<!tpu.dma_semaphore, #tpu.memory_space<semaphore_mem>>)
      } else {
      }
      %add3A_55 = arith.constant 1 : i32
      %add3A_56 = arith.addi %add3A_52, %add3A_55 : i32
      %lt3A_57 = arith.constant 105 : i32
      %lt3A_58 = arith.cmpi slt, %add3A_56, %lt3A_57 : i32
      %convert_element_type3A_59 = arith.extui %lt3A_58 : i1 to i32
      %cond3A_60 = arith.constant 0 : i32
      %cond3A_61 = arith.cmpi ne, %convert_element_type3A_59, %cond3A_60 : i32
      scf.if %cond3A_61 {
        %ge3A_139 = arith.constant 3 : i32
        %ge3A_140 = arith.cmpi sge, %add3A_52, %ge3A_139 : i32
        %convert_element_type3A_141 = arith.extui %ge3A_140 : i1 to i32
        %cond3A_142 = arith.constant 0 : i32
        %cond3A_143 = arith.cmpi ne, %convert_element_type3A_141, %cond3A_142 : i32
        scf.if %cond3A_143 {
          %dma_wait3A_155 = arith.constant 0 : i32
          %dma_wait3A_156 = arith.constant 0 : i32
          %dma_wait3A_157 = tpu.memref_slice %arg20[%dma_wait3A_155, %dma_wait3A_156] : memref<10112x128xf32, #tpu.memory_space<vmem_shared>> -> memref<10112x128xf32, #tpu.memory_space<vmem_shared>>
          tpu.wait_indirect_dma semaphore(%arg26 : memref<!tpu.dma_semaphore, #tpu.memory_space<semaphore_mem>>) src(%arg17 : memref<96x128xf32, #tpu.memory_space<vmem>>) dst(%dma_wait3A_157 : memref<10112x128xf32, #tpu.memory_space<vmem_shared>>)
        } else {
        }
        %add3A_144 = arith.constant 1 : i32
        %add3A_145 = arith.addi %add3A_52, %add3A_144 : i32
        %lt3A_146 = arith.constant 104 : i32
        %lt3A_147 = arith.cmpi slt, %add3A_145, %lt3A_146 : i32
        %convert_element_type3A_148 = arith.extui %lt3A_147 : i1 to i32
        %cond3A_149 = arith.constant 0 : i32
        %cond3A_150 = arith.cmpi ne, %convert_element_type3A_148, %cond3A_149 : i32
        scf.if %cond3A_150 {
          %mul3A_155 = arith.constant 96 : i32
          %mul3A_156 = arith.muli %add3A_145, %mul3A_155 : i32
          %add3A_157 = arith.addi %mul3A_4, %mul3A_156 : i32
          %dma_start3A_158 = tpu.memref_slice %arg3[%add3A_157] : memref<320000xi32, #tpu.memory_space<hbm>> -> memref<96xi32, #tpu.memory_space<hbm>>
          %dma_start3A_159 = tpu.memref_slice %arg3[%add3A_157] : memref<320000xi32, #tpu.memory_space<hbm>> -> memref<96xi32, #tpu.memory_space<hbm>>
          tpu.enqueue_dma source(%dma_start3A_159 : memref<96xi32, #tpu.memory_space<hbm>>) target(%arg9 : memref<96xi32, #tpu.memory_space<vmem>>) target_semaphore(%arg30 : memref<!tpu.dma_semaphore, #tpu.memory_space<semaphore_mem>>)
          %dma_start3A_160 = tpu.memref_slice %arg4[%add3A_157] : memref<320000xi32, #tpu.memory_space<hbm>> -> memref<96xi32, #tpu.memory_space<hbm>>
          %dma_start3A_161 = tpu.memref_slice %arg4[%add3A_157] : memref<320000xi32, #tpu.memory_space<hbm>> -> memref<96xi32, #tpu.memory_space<hbm>>
          tpu.enqueue_dma source(%dma_start3A_161 : memref<96xi32, #tpu.memory_space<hbm>>) target(%arg13 : memref<96xi32, #tpu.memory_space<vmem>>) target_semaphore(%arg30 : memref<!tpu.dma_semaphore, #tpu.memory_space<semaphore_mem>>)
        } else {
        }
        %eq3A = arith.constant 104 : i32
        %eq3A_151 = arith.cmpi eq, %add3A_145, %eq3A : i32
        %convert_element_type3A_152 = arith.extui %eq3A_151 : i1 to i32
        %cond3A_153 = arith.constant 0 : i32
        %cond3A_154 = arith.cmpi ne, %convert_element_type3A_152, %cond3A_153 : i32
        scf.if %cond3A_154 {
          %mul3A_155 = arith.constant 96 : i32
          %mul3A_156 = arith.muli %add3A_145, %mul3A_155 : i32
          %add3A_157 = arith.addi %mul3A_4, %mul3A_156 : i32
          %mul3A_158 = arith.constant 80 : i32
          %mul3A_159 = arith.muli %add3A, %mul3A_158 : i32
          %dma_start3A_160 = arith.constant 0 : i32
          %dma_start3A_161 = tpu.memref_slice %arg9[%dma_start3A_160] : memref<96xi32, #tpu.memory_space<vmem>> -> memref<16xi32, #tpu.memory_space<vmem>>
          %dma_start3A_162 = tpu.memref_slice %arg3[%add3A_157] : memref<320000xi32, #tpu.memory_space<hbm>> -> memref<16xi32, #tpu.memory_space<hbm>>
          %dma_start3A_163 = arith.constant 0 : i32
          %dma_start3A_164 = tpu.memref_slice %arg9[%dma_start3A_163] : memref<96xi32, #tpu.memory_space<vmem>> -> memref<16xi32, #tpu.memory_space<vmem>>
          %dma_start3A_165 = tpu.memref_slice %arg3[%add3A_157] : memref<320000xi32, #tpu.memory_space<hbm>> -> memref<16xi32, #tpu.memory_space<hbm>>
          tpu.enqueue_dma source(%dma_start3A_165 : memref<16xi32, #tpu.memory_space<hbm>>) target(%dma_start3A_164 : memref<16xi32, #tpu.memory_space<vmem>>) target_semaphore(%arg30 : memref<!tpu.dma_semaphore, #tpu.memory_space<semaphore_mem>>)
          %dma_start3A_166 = arith.constant 16 : i32
          %dma_start3A_167 = tpu.memref_slice %arg9[%dma_start3A_166] : memref<96xi32, #tpu.memory_space<vmem>> -> memref<80xi32, #tpu.memory_space<vmem>>
          %dma_start3A_168 = tpu.memref_slice %arg5[%mul3A_159] : memref<2560xi32, #tpu.memory_space<hbm>> -> memref<80xi32, #tpu.memory_space<hbm>>
          %dma_start3A_169 = arith.constant 16 : i32
          %dma_start3A_170 = tpu.memref_slice %arg9[%dma_start3A_169] : memref<96xi32, #tpu.memory_space<vmem>> -> memref<80xi32, #tpu.memory_space<vmem>>
          %dma_start3A_171 = tpu.memref_slice %arg5[%mul3A_159] : memref<2560xi32, #tpu.memory_space<hbm>> -> memref<80xi32, #tpu.memory_space<hbm>>
          tpu.enqueue_dma source(%dma_start3A_171 : memref<80xi32, #tpu.memory_space<hbm>>) target(%dma_start3A_170 : memref<80xi32, #tpu.memory_space<vmem>>) target_semaphore(%arg30 : memref<!tpu.dma_semaphore, #tpu.memory_space<semaphore_mem>>)
          %dma_start3A_172 = arith.constant 0 : i32
          %dma_start3A_173 = tpu.memref_slice %arg13[%dma_start3A_172] : memref<96xi32, #tpu.memory_space<vmem>> -> memref<16xi32, #tpu.memory_space<vmem>>
          %dma_start3A_174 = tpu.memref_slice %arg4[%add3A_157] : memref<320000xi32, #tpu.memory_space<hbm>> -> memref<16xi32, #tpu.memory_space<hbm>>
          %dma_start3A_175 = arith.constant 0 : i32
          %dma_start3A_176 = tpu.memref_slice %arg13[%dma_start3A_175] : memref<96xi32, #tpu.memory_space<vmem>> -> memref<16xi32, #tpu.memory_space<vmem>>
          %dma_start3A_177 = tpu.memref_slice %arg4[%add3A_157] : memref<320000xi32, #tpu.memory_space<hbm>> -> memref<16xi32, #tpu.memory_space<hbm>>
          tpu.enqueue_dma source(%dma_start3A_177 : memref<16xi32, #tpu.memory_space<hbm>>) target(%dma_start3A_176 : memref<16xi32, #tpu.memory_space<vmem>>) target_semaphore(%arg30 : memref<!tpu.dma_semaphore, #tpu.memory_space<semaphore_mem>>)
          %dma_start3A_178 = arith.constant 16 : i32
          %dma_start3A_179 = tpu.memref_slice %arg13[%dma_start3A_178] : memref<96xi32, #tpu.memory_space<vmem>> -> memref<80xi32, #tpu.memory_space<vmem>>
          %dma_start3A_180 = tpu.memref_slice %arg6[%mul3A_159] : memref<2560xi32, #tpu.memory_space<hbm>> -> memref<80xi32, #tpu.memory_space<hbm>>
          %dma_start3A_181 = arith.constant 16 : i32
          %dma_start3A_182 = tpu.memref_slice %arg13[%dma_start3A_181] : memref<96xi32, #tpu.memory_space<vmem>> -> memref<80xi32, #tpu.memory_space<vmem>>
          %dma_start3A_183 = tpu.memref_slice %arg6[%mul3A_159] : memref<2560xi32, #tpu.memory_space<hbm>> -> memref<80xi32, #tpu.memory_space<hbm>>
          tpu.enqueue_dma source(%dma_start3A_183 : memref<80xi32, #tpu.memory_space<hbm>>) target(%dma_start3A_182 : memref<80xi32, #tpu.memory_space<vmem>>) target_semaphore(%arg30 : memref<!tpu.dma_semaphore, #tpu.memory_space<semaphore_mem>>)
        } else {
        }
      } else {
      }
      %ge3A = arith.constant 1 : i32
      %ge3A_62 = arith.cmpi sge, %add3A_52, %ge3A : i32
      %le3A = arith.constant 105 : i32
      %le3A_63 = arith.cmpi sle, %add3A_52, %le3A : i32
      %and3A = arith.andi %ge3A_62, %le3A_63 : i1
      %convert_element_type3A_64 = arith.extui %and3A : i1 to i32
      %cond3A_65 = arith.constant 0 : i32
      %cond3A_66 = arith.cmpi ne, %convert_element_type3A_64, %cond3A_65 : i32
      scf.if %cond3A_66 {
        %dma_wait3A_139 = arith.constant 0 : i32
        %dma_wait3A_140 = arith.constant 0 : i32
        %dma_wait3A_141 = tpu.memref_slice %arg2[%dma_wait3A_139, %dma_wait3A_140] : memref<10000x128xf32, #tpu.memory_space<hbm>> -> memref<10000x128xf32, #tpu.memory_space<hbm>>
        tpu.wait_indirect_dma semaphore(%arg24 : memref<!tpu.dma_semaphore, #tpu.memory_space<semaphore_mem>>) src(%dma_wait3A_141 : memref<10000x128xf32, #tpu.memory_space<hbm>>) dst(%arg19 : memref<96x128xf32, #tpu.memory_space<vmem>>)
        %dma_start3A_142 = arith.constant 0 : i32
        %dma_start3A_143 = arith.constant 0 : i32
        %dma_start3A_144 = tpu.memref_slice %arg20[%dma_start3A_142, %dma_start3A_143] : memref<10112x128xf32, #tpu.memory_space<vmem_shared>> -> memref<10112x128xf32, #tpu.memory_space<vmem_shared>>
        tpu.enqueue_indirect_dma source(%arg19 : memref<96x128xf32, #tpu.memory_space<vmem>>) target(%dma_start3A_144 : memref<10112x128xf32, #tpu.memory_space<vmem_shared>>) offsets(%arg15 : memref<96xi32, #tpu.memory_space<vmem>>) semaphore(%arg28 : memref<!tpu.dma_semaphore, #tpu.memory_space<semaphore_mem>>) {add = true}
      } else {
      }
      %mul3A_67 = arith.constant 4 : i32
      %mul3A_68 = arith.muli %mul3A_67, %scan3A_48 : i32
      %add3A_69 = arith.constant 1 : i32
      %add3A_70 = arith.addi %mul3A_68, %add3A_69 : i32
      %lt3A_71 = arith.constant 105 : i32
      %lt3A_72 = arith.cmpi slt, %add3A_70, %lt3A_71 : i32
      %convert_element_type3A_73 = arith.extui %lt3A_72 : i1 to i32
      %cond3A_74 = arith.constant 0 : i32
      %cond3A_75 = arith.cmpi ne, %convert_element_type3A_73, %cond3A_74 : i32
      scf.if %cond3A_75 {
        %lt3A_139 = arith.constant 104 : i32
        %lt3A_140 = arith.cmpi slt, %add3A_70, %lt3A_139 : i32
        %convert_element_type3A_141 = arith.extui %lt3A_140 : i1 to i32
        %cond3A_142 = arith.constant 0 : i32
        %cond3A_143 = arith.cmpi ne, %convert_element_type3A_141, %cond3A_142 : i32
        scf.if %cond3A_143 {
          %mul3A_151 = arith.constant 96 : i32
          %mul3A_152 = arith.muli %add3A_70, %mul3A_151 : i32
          %add3A_153 = arith.addi %mul3A_4, %mul3A_152 : i32
          %dma_wait3A_154 = tpu.memref_slice %arg3[%add3A_153] : memref<320000xi32, #tpu.memory_space<hbm>> -> memref<96xi32, #tpu.memory_space<hbm>>
          %dma_wait3A_155 = tpu.memref_slice %arg3[%add3A_153] : memref<320000xi32, #tpu.memory_space<hbm>> -> memref<96xi32, #tpu.memory_space<hbm>>
          tpu.wait_dma2 semaphore(%arg30 : memref<!tpu.dma_semaphore, #tpu.memory_space<semaphore_mem>>) src(%dma_wait3A_155 : memref<96xi32, #tpu.memory_space<hbm>>) dst(%arg9 : memref<96xi32, #tpu.memory_space<vmem>>)
          %dma_wait3A_156 = tpu.memref_slice %arg4[%add3A_153] : memref<320000xi32, #tpu.memory_space<hbm>> -> memref<96xi32, #tpu.memory_space<hbm>>
          %dma_wait3A_157 = tpu.memref_slice %arg4[%add3A_153] : memref<320000xi32, #tpu.memory_space<hbm>> -> memref<96xi32, #tpu.memory_space<hbm>>
          tpu.wait_dma2 semaphore(%arg30 : memref<!tpu.dma_semaphore, #tpu.memory_space<semaphore_mem>>) src(%dma_wait3A_157 : memref<96xi32, #tpu.memory_space<hbm>>) dst(%arg13 : memref<96xi32, #tpu.memory_space<vmem>>)
        } else {
        }
        %eq3A = arith.constant 104 : i32
        %eq3A_144 = arith.cmpi eq, %add3A_70, %eq3A : i32
        %convert_element_type3A_145 = arith.extui %eq3A_144 : i1 to i32
        %cond3A_146 = arith.constant 0 : i32
        %cond3A_147 = arith.cmpi ne, %convert_element_type3A_145, %cond3A_146 : i32
        scf.if %cond3A_147 {
          %mul3A_151 = arith.constant 96 : i32
          %mul3A_152 = arith.muli %add3A_70, %mul3A_151 : i32
          %add3A_153 = arith.addi %mul3A_4, %mul3A_152 : i32
          %mul3A_154 = arith.constant 80 : i32
          %mul3A_155 = arith.muli %add3A, %mul3A_154 : i32
          %dma_wait3A_156 = arith.constant 0 : i32
          %dma_wait3A_157 = tpu.memref_slice %arg9[%dma_wait3A_156] : memref<96xi32, #tpu.memory_space<vmem>> -> memref<16xi32, #tpu.memory_space<vmem>>
          %dma_wait3A_158 = tpu.memref_slice %arg3[%add3A_153] : memref<320000xi32, #tpu.memory_space<hbm>> -> memref<16xi32, #tpu.memory_space<hbm>>
          %dma_wait3A_159 = arith.constant 0 : i32
          %dma_wait3A_160 = tpu.memref_slice %arg9[%dma_wait3A_159] : memref<96xi32, #tpu.memory_space<vmem>> -> memref<16xi32, #tpu.memory_space<vmem>>
          %dma_wait3A_161 = tpu.memref_slice %arg3[%add3A_153] : memref<320000xi32, #tpu.memory_space<hbm>> -> memref<16xi32, #tpu.memory_space<hbm>>
          tpu.wait_dma2 semaphore(%arg30 : memref<!tpu.dma_semaphore, #tpu.memory_space<semaphore_mem>>) src(%dma_wait3A_161 : memref<16xi32, #tpu.memory_space<hbm>>) dst(%dma_wait3A_160 : memref<16xi32, #tpu.memory_space<vmem>>)
          %dma_wait3A_162 = arith.constant 16 : i32
          %dma_wait3A_163 = tpu.memref_slice %arg9[%dma_wait3A_162] : memref<96xi32, #tpu.memory_space<vmem>> -> memref<80xi32, #tpu.memory_space<vmem>>
          %dma_wait3A_164 = tpu.memref_slice %arg5[%mul3A_155] : memref<2560xi32, #tpu.memory_space<hbm>> -> memref<80xi32, #tpu.memory_space<hbm>>
          %dma_wait3A_165 = arith.constant 16 : i32
          %dma_wait3A_166 = tpu.memref_slice %arg9[%dma_wait3A_165] : memref<96xi32, #tpu.memory_space<vmem>> -> memref<80xi32, #tpu.memory_space<vmem>>
          %dma_wait3A_167 = tpu.memref_slice %arg5[%mul3A_155] : memref<2560xi32, #tpu.memory_space<hbm>> -> memref<80xi32, #tpu.memory_space<hbm>>
          tpu.wait_dma2 semaphore(%arg30 : memref<!tpu.dma_semaphore, #tpu.memory_space<semaphore_mem>>) src(%dma_wait3A_167 : memref<80xi32, #tpu.memory_space<hbm>>) dst(%dma_wait3A_166 : memref<80xi32, #tpu.memory_space<vmem>>)
          %dma_wait3A_168 = arith.constant 0 : i32
          %dma_wait3A_169 = tpu.memref_slice %arg13[%dma_wait3A_168] : memref<96xi32, #tpu.memory_space<vmem>> -> memref<16xi32, #tpu.memory_space<vmem>>
          %dma_wait3A_170 = tpu.memref_slice %arg4[%add3A_153] : memref<320000xi32, #tpu.memory_space<hbm>> -> memref<16xi32, #tpu.memory_space<hbm>>
          %dma_wait3A_171 = arith.constant 0 : i32
          %dma_wait3A_172 = tpu.memref_slice %arg13[%dma_wait3A_171] : memref<96xi32, #tpu.memory_space<vmem>> -> memref<16xi32, #tpu.memory_space<vmem>>
          %dma_wait3A_173 = tpu.memref_slice %arg4[%add3A_153] : memref<320000xi32, #tpu.memory_space<hbm>> -> memref<16xi32, #tpu.memory_space<hbm>>
          tpu.wait_dma2 semaphore(%arg30 : memref<!tpu.dma_semaphore, #tpu.memory_space<semaphore_mem>>) src(%dma_wait3A_173 : memref<16xi32, #tpu.memory_space<hbm>>) dst(%dma_wait3A_172 : memref<16xi32, #tpu.memory_space<vmem>>)
          %dma_wait3A_174 = arith.constant 16 : i32
          %dma_wait3A_175 = tpu.memref_slice %arg13[%dma_wait3A_174] : memref<96xi32, #tpu.memory_space<vmem>> -> memref<80xi32, #tpu.memory_space<vmem>>
          %dma_wait3A_176 = tpu.memref_slice %arg6[%mul3A_155] : memref<2560xi32, #tpu.memory_space<hbm>> -> memref<80xi32, #tpu.memory_space<hbm>>
          %dma_wait3A_177 = arith.constant 16 : i32
          %dma_wait3A_178 = tpu.memref_slice %arg13[%dma_wait3A_177] : memref<96xi32, #tpu.memory_space<vmem>> -> memref<80xi32, #tpu.memory_space<vmem>>
          %dma_wait3A_179 = tpu.memref_slice %arg6[%mul3A_155] : memref<2560xi32, #tpu.memory_space<hbm>> -> memref<80xi32, #tpu.memory_space<hbm>>
          tpu.wait_dma2 semaphore(%arg30 : memref<!tpu.dma_semaphore, #tpu.memory_space<semaphore_mem>>) src(%dma_wait3A_179 : memref<80xi32, #tpu.memory_space<hbm>>) dst(%dma_wait3A_178 : memref<80xi32, #tpu.memory_space<vmem>>)
        } else {
        }
        %dma_start3A_148 = arith.constant 0 : i32
        %dma_start3A_149 = arith.constant 0 : i32
        %dma_start3A_150 = tpu.memref_slice %arg2[%dma_start3A_148, %dma_start3A_149] : memref<10000x128xf32, #tpu.memory_space<hbm>> -> memref<10000x128xf32, #tpu.memory_space<hbm>>
        tpu.enqueue_indirect_dma source(%dma_start3A_150 : memref<10000x128xf32, #tpu.memory_space<hbm>>) target(%arg17 : memref<96x128xf32, #tpu.memory_space<vmem>>) offsets(%arg9 : memref<96xi32, #tpu.memory_space<vmem>>) semaphore(%arg22 : memref<!tpu.dma_semaphore, #tpu.memory_space<semaphore_mem>>)
      } else {
      }
      %add3A_76 = arith.constant 1 : i32
      %add3A_77 = arith.addi %add3A_70, %add3A_76 : i32
      %lt3A_78 = arith.constant 105 : i32
      %lt3A_79 = arith.cmpi slt, %add3A_77, %lt3A_78 : i32
      %convert_element_type3A_80 = arith.extui %lt3A_79 : i1 to i32
      %cond3A_81 = arith.constant 0 : i32
      %cond3A_82 = arith.cmpi ne, %convert_element_type3A_80, %cond3A_81 : i32
      scf.if %cond3A_82 {
        %ge3A_139 = arith.constant 3 : i32
        %ge3A_140 = arith.cmpi sge, %add3A_70, %ge3A_139 : i32
        %convert_element_type3A_141 = arith.extui %ge3A_140 : i1 to i32
        %cond3A_142 = arith.constant 0 : i32
        %cond3A_143 = arith.cmpi ne, %convert_element_type3A_141, %cond3A_142 : i32
        scf.if %cond3A_143 {
          %dma_wait3A_155 = arith.constant 0 : i32
          %dma_wait3A_156 = arith.constant 0 : i32
          %dma_wait3A_157 = tpu.memref_slice %arg20[%dma_wait3A_155, %dma_wait3A_156] : memref<10112x128xf32, #tpu.memory_space<vmem_shared>> -> memref<10112x128xf32, #tpu.memory_space<vmem_shared>>
          tpu.wait_indirect_dma semaphore(%arg27 : memref<!tpu.dma_semaphore, #tpu.memory_space<semaphore_mem>>) src(%arg18 : memref<96x128xf32, #tpu.memory_space<vmem>>) dst(%dma_wait3A_157 : memref<10112x128xf32, #tpu.memory_space<vmem_shared>>)
        } else {
        }
        %add3A_144 = arith.constant 1 : i32
        %add3A_145 = arith.addi %add3A_70, %add3A_144 : i32
        %lt3A_146 = arith.constant 104 : i32
        %lt3A_147 = arith.cmpi slt, %add3A_145, %lt3A_146 : i32
        %convert_element_type3A_148 = arith.extui %lt3A_147 : i1 to i32
        %cond3A_149 = arith.constant 0 : i32
        %cond3A_150 = arith.cmpi ne, %convert_element_type3A_148, %cond3A_149 : i32
        scf.if %cond3A_150 {
          %mul3A_155 = arith.constant 96 : i32
          %mul3A_156 = arith.muli %add3A_145, %mul3A_155 : i32
          %add3A_157 = arith.addi %mul3A_4, %mul3A_156 : i32
          %dma_start3A_158 = tpu.memref_slice %arg3[%add3A_157] : memref<320000xi32, #tpu.memory_space<hbm>> -> memref<96xi32, #tpu.memory_space<hbm>>
          %dma_start3A_159 = tpu.memref_slice %arg3[%add3A_157] : memref<320000xi32, #tpu.memory_space<hbm>> -> memref<96xi32, #tpu.memory_space<hbm>>
          tpu.enqueue_dma source(%dma_start3A_159 : memref<96xi32, #tpu.memory_space<hbm>>) target(%arg10 : memref<96xi32, #tpu.memory_space<vmem>>) target_semaphore(%arg31 : memref<!tpu.dma_semaphore, #tpu.memory_space<semaphore_mem>>)
          %dma_start3A_160 = tpu.memref_slice %arg4[%add3A_157] : memref<320000xi32, #tpu.memory_space<hbm>> -> memref<96xi32, #tpu.memory_space<hbm>>
          %dma_start3A_161 = tpu.memref_slice %arg4[%add3A_157] : memref<320000xi32, #tpu.memory_space<hbm>> -> memref<96xi32, #tpu.memory_space<hbm>>
          tpu.enqueue_dma source(%dma_start3A_161 : memref<96xi32, #tpu.memory_space<hbm>>) target(%arg14 : memref<96xi32, #tpu.memory_space<vmem>>) target_semaphore(%arg31 : memref<!tpu.dma_semaphore, #tpu.memory_space<semaphore_mem>>)
        } else {
        }
        %eq3A = arith.constant 104 : i32
        %eq3A_151 = arith.cmpi eq, %add3A_145, %eq3A : i32
        %convert_element_type3A_152 = arith.extui %eq3A_151 : i1 to i32
        %cond3A_153 = arith.constant 0 : i32
        %cond3A_154 = arith.cmpi ne, %convert_element_type3A_152, %cond3A_153 : i32
        scf.if %cond3A_154 {
          %mul3A_155 = arith.constant 96 : i32
          %mul3A_156 = arith.muli %add3A_145, %mul3A_155 : i32
          %add3A_157 = arith.addi %mul3A_4, %mul3A_156 : i32
          %mul3A_158 = arith.constant 80 : i32
          %mul3A_159 = arith.muli %add3A, %mul3A_158 : i32
          %dma_start3A_160 = arith.constant 0 : i32
          %dma_start3A_161 = tpu.memref_slice %arg10[%dma_start3A_160] : memref<96xi32, #tpu.memory_space<vmem>> -> memref<16xi32, #tpu.memory_space<vmem>>
          %dma_start3A_162 = tpu.memref_slice %arg3[%add3A_157] : memref<320000xi32, #tpu.memory_space<hbm>> -> memref<16xi32, #tpu.memory_space<hbm>>
          %dma_start3A_163 = arith.constant 0 : i32
          %dma_start3A_164 = tpu.memref_slice %arg10[%dma_start3A_163] : memref<96xi32, #tpu.memory_space<vmem>> -> memref<16xi32, #tpu.memory_space<vmem>>
          %dma_start3A_165 = tpu.memref_slice %arg3[%add3A_157] : memref<320000xi32, #tpu.memory_space<hbm>> -> memref<16xi32, #tpu.memory_space<hbm>>
          tpu.enqueue_dma source(%dma_start3A_165 : memref<16xi32, #tpu.memory_space<hbm>>) target(%dma_start3A_164 : memref<16xi32, #tpu.memory_space<vmem>>) target_semaphore(%arg31 : memref<!tpu.dma_semaphore, #tpu.memory_space<semaphore_mem>>)
          %dma_start3A_166 = arith.constant 16 : i32
          %dma_start3A_167 = tpu.memref_slice %arg10[%dma_start3A_166] : memref<96xi32, #tpu.memory_space<vmem>> -> memref<80xi32, #tpu.memory_space<vmem>>
          %dma_start3A_168 = tpu.memref_slice %arg5[%mul3A_159] : memref<2560xi32, #tpu.memory_space<hbm>> -> memref<80xi32, #tpu.memory_space<hbm>>
          %dma_start3A_169 = arith.constant 16 : i32
          %dma_start3A_170 = tpu.memref_slice %arg10[%dma_start3A_169] : memref<96xi32, #tpu.memory_space<vmem>> -> memref<80xi32, #tpu.memory_space<vmem>>
          %dma_start3A_171 = tpu.memref_slice %arg5[%mul3A_159] : memref<2560xi32, #tpu.memory_space<hbm>> -> memref<80xi32, #tpu.memory_space<hbm>>
          tpu.enqueue_dma source(%dma_start3A_171 : memref<80xi32, #tpu.memory_space<hbm>>) target(%dma_start3A_170 : memref<80xi32, #tpu.memory_space<vmem>>) target_semaphore(%arg31 : memref<!tpu.dma_semaphore, #tpu.memory_space<semaphore_mem>>)
          %dma_start3A_172 = arith.constant 0 : i32
          %dma_start3A_173 = tpu.memref_slice %arg14[%dma_start3A_172] : memref<96xi32, #tpu.memory_space<vmem>> -> memref<16xi32, #tpu.memory_space<vmem>>
          %dma_start3A_174 = tpu.memref_slice %arg4[%add3A_157] : memref<320000xi32, #tpu.memory_space<hbm>> -> memref<16xi32, #tpu.memory_space<hbm>>
          %dma_start3A_175 = arith.constant 0 : i32
          %dma_start3A_176 = tpu.memref_slice %arg14[%dma_start3A_175] : memref<96xi32, #tpu.memory_space<vmem>> -> memref<16xi32, #tpu.memory_space<vmem>>
          %dma_start3A_177 = tpu.memref_slice %arg4[%add3A_157] : memref<320000xi32, #tpu.memory_space<hbm>> -> memref<16xi32, #tpu.memory_space<hbm>>
          tpu.enqueue_dma source(%dma_start3A_177 : memref<16xi32, #tpu.memory_space<hbm>>) target(%dma_start3A_176 : memref<16xi32, #tpu.memory_space<vmem>>) target_semaphore(%arg31 : memref<!tpu.dma_semaphore, #tpu.memory_space<semaphore_mem>>)
          %dma_start3A_178 = arith.constant 16 : i32
          %dma_start3A_179 = tpu.memref_slice %arg14[%dma_start3A_178] : memref<96xi32, #tpu.memory_space<vmem>> -> memref<80xi32, #tpu.memory_space<vmem>>
          %dma_start3A_180 = tpu.memref_slice %arg6[%mul3A_159] : memref<2560xi32, #tpu.memory_space<hbm>> -> memref<80xi32, #tpu.memory_space<hbm>>
          %dma_start3A_181 = arith.constant 16 : i32
          %dma_start3A_182 = tpu.memref_slice %arg14[%dma_start3A_181] : memref<96xi32, #tpu.memory_space<vmem>> -> memref<80xi32, #tpu.memory_space<vmem>>
          %dma_start3A_183 = tpu.memref_slice %arg6[%mul3A_159] : memref<2560xi32, #tpu.memory_space<hbm>> -> memref<80xi32, #tpu.memory_space<hbm>>
          tpu.enqueue_dma source(%dma_start3A_183 : memref<80xi32, #tpu.memory_space<hbm>>) target(%dma_start3A_182 : memref<80xi32, #tpu.memory_space<vmem>>) target_semaphore(%arg31 : memref<!tpu.dma_semaphore, #tpu.memory_space<semaphore_mem>>)
        } else {
        }
      } else {
      }
      %ge3A_83 = arith.constant 1 : i32
      %ge3A_84 = arith.cmpi sge, %add3A_70, %ge3A_83 : i32
      %le3A_85 = arith.constant 105 : i32
      %le3A_86 = arith.cmpi sle, %add3A_70, %le3A_85 : i32
      %and3A_87 = arith.andi %ge3A_84, %le3A_86 : i1
      %convert_element_type3A_88 = arith.extui %and3A_87 : i1 to i32
      %cond3A_89 = arith.constant 0 : i32
      %cond3A_90 = arith.cmpi ne, %convert_element_type3A_88, %cond3A_89 : i32
      scf.if %cond3A_90 {
        %dma_wait3A_139 = arith.constant 0 : i32
        %dma_wait3A_140 = arith.constant 0 : i32
        %dma_wait3A_141 = tpu.memref_slice %arg2[%dma_wait3A_139, %dma_wait3A_140] : memref<10000x128xf32, #tpu.memory_space<hbm>> -> memref<10000x128xf32, #tpu.memory_space<hbm>>
        tpu.wait_indirect_dma semaphore(%arg21 : memref<!tpu.dma_semaphore, #tpu.memory_space<semaphore_mem>>) src(%dma_wait3A_141 : memref<10000x128xf32, #tpu.memory_space<hbm>>) dst(%arg16 : memref<96x128xf32, #tpu.memory_space<vmem>>)
        %dma_start3A_142 = arith.constant 0 : i32
        %dma_start3A_143 = arith.constant 0 : i32
        %dma_start3A_144 = tpu.memref_slice %arg20[%dma_start3A_142, %dma_start3A_143] : memref<10112x128xf32, #tpu.memory_space<vmem_shared>> -> memref<10112x128xf32, #tpu.memory_space<vmem_shared>>
        tpu.enqueue_indirect_dma source(%arg16 : memref<96x128xf32, #tpu.memory_space<vmem>>) target(%dma_start3A_144 : memref<10112x128xf32, #tpu.memory_space<vmem_shared>>) offsets(%arg12 : memref<96xi32, #tpu.memory_space<vmem>>) semaphore(%arg25 : memref<!tpu.dma_semaphore, #tpu.memory_space<semaphore_mem>>) {add = true}
      } else {
      }
      %mul3A_91 = arith.constant 4 : i32
      %mul3A_92 = arith.muli %mul3A_91, %scan3A_48 : i32
      %add3A_93 = arith.constant 2 : i32
      %add3A_94 = arith.addi %mul3A_92, %add3A_93 : i32
      %lt3A_95 = arith.constant 105 : i32
      %lt3A_96 = arith.cmpi slt, %add3A_94, %lt3A_95 : i32
      %convert_element_type3A_97 = arith.extui %lt3A_96 : i1 to i32
      %cond3A_98 = arith.constant 0 : i32
      %cond3A_99 = arith.cmpi ne, %convert_element_type3A_97, %cond3A_98 : i32
      scf.if %cond3A_99 {
        %lt3A_139 = arith.constant 104 : i32
        %lt3A_140 = arith.cmpi slt, %add3A_94, %lt3A_139 : i32
        %convert_element_type3A_141 = arith.extui %lt3A_140 : i1 to i32
        %cond3A_142 = arith.constant 0 : i32
        %cond3A_143 = arith.cmpi ne, %convert_element_type3A_141, %cond3A_142 : i32
        scf.if %cond3A_143 {
          %mul3A_151 = arith.constant 96 : i32
          %mul3A_152 = arith.muli %add3A_94, %mul3A_151 : i32
          %add3A_153 = arith.addi %mul3A_4, %mul3A_152 : i32
          %dma_wait3A_154 = tpu.memref_slice %arg3[%add3A_153] : memref<320000xi32, #tpu.memory_space<hbm>> -> memref<96xi32, #tpu.memory_space<hbm>>
          %dma_wait3A_155 = tpu.memref_slice %arg3[%add3A_153] : memref<320000xi32, #tpu.memory_space<hbm>> -> memref<96xi32, #tpu.memory_space<hbm>>
          tpu.wait_dma2 semaphore(%arg31 : memref<!tpu.dma_semaphore, #tpu.memory_space<semaphore_mem>>) src(%dma_wait3A_155 : memref<96xi32, #tpu.memory_space<hbm>>) dst(%arg10 : memref<96xi32, #tpu.memory_space<vmem>>)
          %dma_wait3A_156 = tpu.memref_slice %arg4[%add3A_153] : memref<320000xi32, #tpu.memory_space<hbm>> -> memref<96xi32, #tpu.memory_space<hbm>>
          %dma_wait3A_157 = tpu.memref_slice %arg4[%add3A_153] : memref<320000xi32, #tpu.memory_space<hbm>> -> memref<96xi32, #tpu.memory_space<hbm>>
          tpu.wait_dma2 semaphore(%arg31 : memref<!tpu.dma_semaphore, #tpu.memory_space<semaphore_mem>>) src(%dma_wait3A_157 : memref<96xi32, #tpu.memory_space<hbm>>) dst(%arg14 : memref<96xi32, #tpu.memory_space<vmem>>)
        } else {
        }
        %eq3A = arith.constant 104 : i32
        %eq3A_144 = arith.cmpi eq, %add3A_94, %eq3A : i32
        %convert_element_type3A_145 = arith.extui %eq3A_144 : i1 to i32
        %cond3A_146 = arith.constant 0 : i32
        %cond3A_147 = arith.cmpi ne, %convert_element_type3A_145, %cond3A_146 : i32
        scf.if %cond3A_147 {
          %mul3A_151 = arith.constant 96 : i32
          %mul3A_152 = arith.muli %add3A_94, %mul3A_151 : i32
          %add3A_153 = arith.addi %mul3A_4, %mul3A_152 : i32
          %mul3A_154 = arith.constant 80 : i32
          %mul3A_155 = arith.muli %add3A, %mul3A_154 : i32
          %dma_wait3A_156 = arith.constant 0 : i32
          %dma_wait3A_157 = tpu.memref_slice %arg10[%dma_wait3A_156] : memref<96xi32, #tpu.memory_space<vmem>> -> memref<16xi32, #tpu.memory_space<vmem>>
          %dma_wait3A_158 = tpu.memref_slice %arg3[%add3A_153] : memref<320000xi32, #tpu.memory_space<hbm>> -> memref<16xi32, #tpu.memory_space<hbm>>
          %dma_wait3A_159 = arith.constant 0 : i32
          %dma_wait3A_160 = tpu.memref_slice %arg10[%dma_wait3A_159] : memref<96xi32, #tpu.memory_space<vmem>> -> memref<16xi32, #tpu.memory_space<vmem>>
          %dma_wait3A_161 = tpu.memref_slice %arg3[%add3A_153] : memref<320000xi32, #tpu.memory_space<hbm>> -> memref<16xi32, #tpu.memory_space<hbm>>
          tpu.wait_dma2 semaphore(%arg31 : memref<!tpu.dma_semaphore, #tpu.memory_space<semaphore_mem>>) src(%dma_wait3A_161 : memref<16xi32, #tpu.memory_space<hbm>>) dst(%dma_wait3A_160 : memref<16xi32, #tpu.memory_space<vmem>>)
          %dma_wait3A_162 = arith.constant 16 : i32
          %dma_wait3A_163 = tpu.memref_slice %arg10[%dma_wait3A_162] : memref<96xi32, #tpu.memory_space<vmem>> -> memref<80xi32, #tpu.memory_space<vmem>>
          %dma_wait3A_164 = tpu.memref_slice %arg5[%mul3A_155] : memref<2560xi32, #tpu.memory_space<hbm>> -> memref<80xi32, #tpu.memory_space<hbm>>
          %dma_wait3A_165 = arith.constant 16 : i32
          %dma_wait3A_166 = tpu.memref_slice %arg10[%dma_wait3A_165] : memref<96xi32, #tpu.memory_space<vmem>> -> memref<80xi32, #tpu.memory_space<vmem>>
          %dma_wait3A_167 = tpu.memref_slice %arg5[%mul3A_155] : memref<2560xi32, #tpu.memory_space<hbm>> -> memref<80xi32, #tpu.memory_space<hbm>>
          tpu.wait_dma2 semaphore(%arg31 : memref<!tpu.dma_semaphore, #tpu.memory_space<semaphore_mem>>) src(%dma_wait3A_167 : memref<80xi32, #tpu.memory_space<hbm>>) dst(%dma_wait3A_166 : memref<80xi32, #tpu.memory_space<vmem>>)
          %dma_wait3A_168 = arith.constant 0 : i32
          %dma_wait3A_169 = tpu.memref_slice %arg14[%dma_wait3A_168] : memref<96xi32, #tpu.memory_space<vmem>> -> memref<16xi32, #tpu.memory_space<vmem>>
          %dma_wait3A_170 = tpu.memref_slice %arg4[%add3A_153] : memref<320000xi32, #tpu.memory_space<hbm>> -> memref<16xi32, #tpu.memory_space<hbm>>
          %dma_wait3A_171 = arith.constant 0 : i32
          %dma_wait3A_172 = tpu.memref_slice %arg14[%dma_wait3A_171] : memref<96xi32, #tpu.memory_space<vmem>> -> memref<16xi32, #tpu.memory_space<vmem>>
          %dma_wait3A_173 = tpu.memref_slice %arg4[%add3A_153] : memref<320000xi32, #tpu.memory_space<hbm>> -> memref<16xi32, #tpu.memory_space<hbm>>
          tpu.wait_dma2 semaphore(%arg31 : memref<!tpu.dma_semaphore, #tpu.memory_space<semaphore_mem>>) src(%dma_wait3A_173 : memref<16xi32, #tpu.memory_space<hbm>>) dst(%dma_wait3A_172 : memref<16xi32, #tpu.memory_space<vmem>>)
          %dma_wait3A_174 = arith.constant 16 : i32
          %dma_wait3A_175 = tpu.memref_slice %arg14[%dma_wait3A_174] : memref<96xi32, #tpu.memory_space<vmem>> -> memref<80xi32, #tpu.memory_space<vmem>>
          %dma_wait3A_176 = tpu.memref_slice %arg6[%mul3A_155] : memref<2560xi32, #tpu.memory_space<hbm>> -> memref<80xi32, #tpu.memory_space<hbm>>
          %dma_wait3A_177 = arith.constant 16 : i32
          %dma_wait3A_178 = tpu.memref_slice %arg14[%dma_wait3A_177] : memref<96xi32, #tpu.memory_space<vmem>> -> memref<80xi32, #tpu.memory_space<vmem>>
          %dma_wait3A_179 = tpu.memref_slice %arg6[%mul3A_155] : memref<2560xi32, #tpu.memory_space<hbm>> -> memref<80xi32, #tpu.memory_space<hbm>>
          tpu.wait_dma2 semaphore(%arg31 : memref<!tpu.dma_semaphore, #tpu.memory_space<semaphore_mem>>) src(%dma_wait3A_179 : memref<80xi32, #tpu.memory_space<hbm>>) dst(%dma_wait3A_178 : memref<80xi32, #tpu.memory_space<vmem>>)
        } else {
        }
        %dma_start3A_148 = arith.constant 0 : i32
        %dma_start3A_149 = arith.constant 0 : i32
        %dma_start3A_150 = tpu.memref_slice %arg2[%dma_start3A_148, %dma_start3A_149] : memref<10000x128xf32, #tpu.memory_space<hbm>> -> memref<10000x128xf32, #tpu.memory_space<hbm>>
        tpu.enqueue_indirect_dma source(%dma_start3A_150 : memref<10000x128xf32, #tpu.memory_space<hbm>>) target(%arg18 : memref<96x128xf32, #tpu.memory_space<vmem>>) offsets(%arg10 : memref<96xi32, #tpu.memory_space<vmem>>) semaphore(%arg23 : memref<!tpu.dma_semaphore, #tpu.memory_space<semaphore_mem>>)
      } else {
      }
      %add3A_100 = arith.constant 1 : i32
      %add3A_101 = arith.addi %add3A_94, %add3A_100 : i32
      %lt3A_102 = arith.constant 105 : i32
      %lt3A_103 = arith.cmpi slt, %add3A_101, %lt3A_102 : i32
      %convert_element_type3A_104 = arith.extui %lt3A_103 : i1 to i32
      %cond3A_105 = arith.constant 0 : i32
      %cond3A_106 = arith.cmpi ne, %convert_element_type3A_104, %cond3A_105 : i32
      scf.if %cond3A_106 {
        %ge3A_139 = arith.constant 3 : i32
        %ge3A_140 = arith.cmpi sge, %add3A_94, %ge3A_139 : i32
        %convert_element_type3A_141 = arith.extui %ge3A_140 : i1 to i32
        %cond3A_142 = arith.constant 0 : i32
        %cond3A_143 = arith.cmpi ne, %convert_element_type3A_141, %cond3A_142 : i32
        scf.if %cond3A_143 {
          %dma_wait3A_155 = arith.constant 0 : i32
          %dma_wait3A_156 = arith.constant 0 : i32
          %dma_wait3A_157 = tpu.memref_slice %arg20[%dma_wait3A_155, %dma_wait3A_156] : memref<10112x128xf32, #tpu.memory_space<vmem_shared>> -> memref<10112x128xf32, #tpu.memory_space<vmem_shared>>
          tpu.wait_indirect_dma semaphore(%arg28 : memref<!tpu.dma_semaphore, #tpu.memory_space<semaphore_mem>>) src(%arg19 : memref<96x128xf32, #tpu.memory_space<vmem>>) dst(%dma_wait3A_157 : memref<10112x128xf32, #tpu.memory_space<vmem_shared>>)
        } else {
        }
        %add3A_144 = arith.constant 1 : i32
        %add3A_145 = arith.addi %add3A_94, %add3A_144 : i32
        %lt3A_146 = arith.constant 104 : i32
        %lt3A_147 = arith.cmpi slt, %add3A_145, %lt3A_146 : i32
        %convert_element_type3A_148 = arith.extui %lt3A_147 : i1 to i32
        %cond3A_149 = arith.constant 0 : i32
        %cond3A_150 = arith.cmpi ne, %convert_element_type3A_148, %cond3A_149 : i32
        scf.if %cond3A_150 {
          %mul3A_155 = arith.constant 96 : i32
          %mul3A_156 = arith.muli %add3A_145, %mul3A_155 : i32
          %add3A_157 = arith.addi %mul3A_4, %mul3A_156 : i32
          %dma_start3A_158 = tpu.memref_slice %arg3[%add3A_157] : memref<320000xi32, #tpu.memory_space<hbm>> -> memref<96xi32, #tpu.memory_space<hbm>>
          %dma_start3A_159 = tpu.memref_slice %arg3[%add3A_157] : memref<320000xi32, #tpu.memory_space<hbm>> -> memref<96xi32, #tpu.memory_space<hbm>>
          tpu.enqueue_dma source(%dma_start3A_159 : memref<96xi32, #tpu.memory_space<hbm>>) target(%arg11 : memref<96xi32, #tpu.memory_space<vmem>>) target_semaphore(%arg32 : memref<!tpu.dma_semaphore, #tpu.memory_space<semaphore_mem>>)
          %dma_start3A_160 = tpu.memref_slice %arg4[%add3A_157] : memref<320000xi32, #tpu.memory_space<hbm>> -> memref<96xi32, #tpu.memory_space<hbm>>
          %dma_start3A_161 = tpu.memref_slice %arg4[%add3A_157] : memref<320000xi32, #tpu.memory_space<hbm>> -> memref<96xi32, #tpu.memory_space<hbm>>
          tpu.enqueue_dma source(%dma_start3A_161 : memref<96xi32, #tpu.memory_space<hbm>>) target(%arg15 : memref<96xi32, #tpu.memory_space<vmem>>) target_semaphore(%arg32 : memref<!tpu.dma_semaphore, #tpu.memory_space<semaphore_mem>>)
        } else {
        }
        %eq3A = arith.constant 104 : i32
        %eq3A_151 = arith.cmpi eq, %add3A_145, %eq3A : i32
        %convert_element_type3A_152 = arith.extui %eq3A_151 : i1 to i32
        %cond3A_153 = arith.constant 0 : i32
        %cond3A_154 = arith.cmpi ne, %convert_element_type3A_152, %cond3A_153 : i32
        scf.if %cond3A_154 {
          %mul3A_155 = arith.constant 96 : i32
          %mul3A_156 = arith.muli %add3A_145, %mul3A_155 : i32
          %add3A_157 = arith.addi %mul3A_4, %mul3A_156 : i32
          %mul3A_158 = arith.constant 80 : i32
          %mul3A_159 = arith.muli %add3A, %mul3A_158 : i32
          %dma_start3A_160 = arith.constant 0 : i32
          %dma_start3A_161 = tpu.memref_slice %arg11[%dma_start3A_160] : memref<96xi32, #tpu.memory_space<vmem>> -> memref<16xi32, #tpu.memory_space<vmem>>
          %dma_start3A_162 = tpu.memref_slice %arg3[%add3A_157] : memref<320000xi32, #tpu.memory_space<hbm>> -> memref<16xi32, #tpu.memory_space<hbm>>
          %dma_start3A_163 = arith.constant 0 : i32
          %dma_start3A_164 = tpu.memref_slice %arg11[%dma_start3A_163] : memref<96xi32, #tpu.memory_space<vmem>> -> memref<16xi32, #tpu.memory_space<vmem>>
          %dma_start3A_165 = tpu.memref_slice %arg3[%add3A_157] : memref<320000xi32, #tpu.memory_space<hbm>> -> memref<16xi32, #tpu.memory_space<hbm>>
          tpu.enqueue_dma source(%dma_start3A_165 : memref<16xi32, #tpu.memory_space<hbm>>) target(%dma_start3A_164 : memref<16xi32, #tpu.memory_space<vmem>>) target_semaphore(%arg32 : memref<!tpu.dma_semaphore, #tpu.memory_space<semaphore_mem>>)
          %dma_start3A_166 = arith.constant 16 : i32
          %dma_start3A_167 = tpu.memref_slice %arg11[%dma_start3A_166] : memref<96xi32, #tpu.memory_space<vmem>> -> memref<80xi32, #tpu.memory_space<vmem>>
          %dma_start3A_168 = tpu.memref_slice %arg5[%mul3A_159] : memref<2560xi32, #tpu.memory_space<hbm>> -> memref<80xi32, #tpu.memory_space<hbm>>
          %dma_start3A_169 = arith.constant 16 : i32
          %dma_start3A_170 = tpu.memref_slice %arg11[%dma_start3A_169] : memref<96xi32, #tpu.memory_space<vmem>> -> memref<80xi32, #tpu.memory_space<vmem>>
          %dma_start3A_171 = tpu.memref_slice %arg5[%mul3A_159] : memref<2560xi32, #tpu.memory_space<hbm>> -> memref<80xi32, #tpu.memory_space<hbm>>
          tpu.enqueue_dma source(%dma_start3A_171 : memref<80xi32, #tpu.memory_space<hbm>>) target(%dma_start3A_170 : memref<80xi32, #tpu.memory_space<vmem>>) target_semaphore(%arg32 : memref<!tpu.dma_semaphore, #tpu.memory_space<semaphore_mem>>)
          %dma_start3A_172 = arith.constant 0 : i32
          %dma_start3A_173 = tpu.memref_slice %arg15[%dma_start3A_172] : memref<96xi32, #tpu.memory_space<vmem>> -> memref<16xi32, #tpu.memory_space<vmem>>
          %dma_start3A_174 = tpu.memref_slice %arg4[%add3A_157] : memref<320000xi32, #tpu.memory_space<hbm>> -> memref<16xi32, #tpu.memory_space<hbm>>
          %dma_start3A_175 = arith.constant 0 : i32
          %dma_start3A_176 = tpu.memref_slice %arg15[%dma_start3A_175] : memref<96xi32, #tpu.memory_space<vmem>> -> memref<16xi32, #tpu.memory_space<vmem>>
          %dma_start3A_177 = tpu.memref_slice %arg4[%add3A_157] : memref<320000xi32, #tpu.memory_space<hbm>> -> memref<16xi32, #tpu.memory_space<hbm>>
          tpu.enqueue_dma source(%dma_start3A_177 : memref<16xi32, #tpu.memory_space<hbm>>) target(%dma_start3A_176 : memref<16xi32, #tpu.memory_space<vmem>>) target_semaphore(%arg32 : memref<!tpu.dma_semaphore, #tpu.memory_space<semaphore_mem>>)
          %dma_start3A_178 = arith.constant 16 : i32
          %dma_start3A_179 = tpu.memref_slice %arg15[%dma_start3A_178] : memref<96xi32, #tpu.memory_space<vmem>> -> memref<80xi32, #tpu.memory_space<vmem>>
          %dma_start3A_180 = tpu.memref_slice %arg6[%mul3A_159] : memref<2560xi32, #tpu.memory_space<hbm>> -> memref<80xi32, #tpu.memory_space<hbm>>
          %dma_start3A_181 = arith.constant 16 : i32
          %dma_start3A_182 = tpu.memref_slice %arg15[%dma_start3A_181] : memref<96xi32, #tpu.memory_space<vmem>> -> memref<80xi32, #tpu.memory_space<vmem>>
          %dma_start3A_183 = tpu.memref_slice %arg6[%mul3A_159] : memref<2560xi32, #tpu.memory_space<hbm>> -> memref<80xi32, #tpu.memory_space<hbm>>
          tpu.enqueue_dma source(%dma_start3A_183 : memref<80xi32, #tpu.memory_space<hbm>>) target(%dma_start3A_182 : memref<80xi32, #tpu.memory_space<vmem>>) target_semaphore(%arg32 : memref<!tpu.dma_semaphore, #tpu.memory_space<semaphore_mem>>)
        } else {
        }
      } else {
      }
      %ge3A_107 = arith.constant 1 : i32
      %ge3A_108 = arith.cmpi sge, %add3A_94, %ge3A_107 : i32
      %le3A_109 = arith.constant 105 : i32
      %le3A_110 = arith.cmpi sle, %add3A_94, %le3A_109 : i32
      %and3A_111 = arith.andi %ge3A_108, %le3A_110 : i1
      %convert_element_type3A_112 = arith.extui %and3A_111 : i1 to i32
      %cond3A_113 = arith.constant 0 : i32
      %cond3A_114 = arith.cmpi ne, %convert_element_type3A_112, %cond3A_113 : i32
      scf.if %cond3A_114 {
        %dma_wait3A_139 = arith.constant 0 : i32
        %dma_wait3A_140 = arith.constant 0 : i32
        %dma_wait3A_141 = tpu.memref_slice %arg2[%dma_wait3A_139, %dma_wait3A_140] : memref<10000x128xf32, #tpu.memory_space<hbm>> -> memref<10000x128xf32, #tpu.memory_space<hbm>>
        tpu.wait_indirect_dma semaphore(%arg22 : memref<!tpu.dma_semaphore, #tpu.memory_space<semaphore_mem>>) src(%dma_wait3A_141 : memref<10000x128xf32, #tpu.memory_space<hbm>>) dst(%arg17 : memref<96x128xf32, #tpu.memory_space<vmem>>)
        %dma_start3A_142 = arith.constant 0 : i32
        %dma_start3A_143 = arith.constant 0 : i32
        %dma_start3A_144 = tpu.memref_slice %arg20[%dma_start3A_142, %dma_start3A_143] : memref<10112x128xf32, #tpu.memory_space<vmem_shared>> -> memref<10112x128xf32, #tpu.memory_space<vmem_shared>>
        tpu.enqueue_indirect_dma source(%arg17 : memref<96x128xf32, #tpu.memory_space<vmem>>) target(%dma_start3A_144 : memref<10112x128xf32, #tpu.memory_space<vmem_shared>>) offsets(%arg13 : memref<96xi32, #tpu.memory_space<vmem>>) semaphore(%arg26 : memref<!tpu.dma_semaphore, #tpu.memory_space<semaphore_mem>>) {add = true}
      } else {
      }
      %mul3A_115 = arith.constant 4 : i32
      %mul3A_116 = arith.muli %mul3A_115, %scan3A_48 : i32
      %add3A_117 = arith.constant 3 : i32
      %add3A_118 = arith.addi %mul3A_116, %add3A_117 : i32
      %lt3A_119 = arith.constant 105 : i32
      %lt3A_120 = arith.cmpi slt, %add3A_118, %lt3A_119 : i32
      %convert_element_type3A_121 = arith.extui %lt3A_120 : i1 to i32
      %cond3A_122 = arith.constant 0 : i32
      %cond3A_123 = arith.cmpi ne, %convert_element_type3A_121, %cond3A_122 : i32
      scf.if %cond3A_123 {
        %lt3A_139 = arith.constant 104 : i32
        %lt3A_140 = arith.cmpi slt, %add3A_118, %lt3A_139 : i32
        %convert_element_type3A_141 = arith.extui %lt3A_140 : i1 to i32
        %cond3A_142 = arith.constant 0 : i32
        %cond3A_143 = arith.cmpi ne, %convert_element_type3A_141, %cond3A_142 : i32
        scf.if %cond3A_143 {
          %mul3A_151 = arith.constant 96 : i32
          %mul3A_152 = arith.muli %add3A_118, %mul3A_151 : i32
          %add3A_153 = arith.addi %mul3A_4, %mul3A_152 : i32
          %dma_wait3A_154 = tpu.memref_slice %arg3[%add3A_153] : memref<320000xi32, #tpu.memory_space<hbm>> -> memref<96xi32, #tpu.memory_space<hbm>>
          %dma_wait3A_155 = tpu.memref_slice %arg3[%add3A_153] : memref<320000xi32, #tpu.memory_space<hbm>> -> memref<96xi32, #tpu.memory_space<hbm>>
          tpu.wait_dma2 semaphore(%arg32 : memref<!tpu.dma_semaphore, #tpu.memory_space<semaphore_mem>>) src(%dma_wait3A_155 : memref<96xi32, #tpu.memory_space<hbm>>) dst(%arg11 : memref<96xi32, #tpu.memory_space<vmem>>)
          %dma_wait3A_156 = tpu.memref_slice %arg4[%add3A_153] : memref<320000xi32, #tpu.memory_space<hbm>> -> memref<96xi32, #tpu.memory_space<hbm>>
          %dma_wait3A_157 = tpu.memref_slice %arg4[%add3A_153] : memref<320000xi32, #tpu.memory_space<hbm>> -> memref<96xi32, #tpu.memory_space<hbm>>
          tpu.wait_dma2 semaphore(%arg32 : memref<!tpu.dma_semaphore, #tpu.memory_space<semaphore_mem>>) src(%dma_wait3A_157 : memref<96xi32, #tpu.memory_space<hbm>>) dst(%arg15 : memref<96xi32, #tpu.memory_space<vmem>>)
        } else {
        }
        %eq3A = arith.constant 104 : i32
        %eq3A_144 = arith.cmpi eq, %add3A_118, %eq3A : i32
        %convert_element_type3A_145 = arith.extui %eq3A_144 : i1 to i32
        %cond3A_146 = arith.constant 0 : i32
        %cond3A_147 = arith.cmpi ne, %convert_element_type3A_145, %cond3A_146 : i32
        scf.if %cond3A_147 {
          %mul3A_151 = arith.constant 96 : i32
          %mul3A_152 = arith.muli %add3A_118, %mul3A_151 : i32
          %add3A_153 = arith.addi %mul3A_4, %mul3A_152 : i32
          %mul3A_154 = arith.constant 80 : i32
          %mul3A_155 = arith.muli %add3A, %mul3A_154 : i32
          %dma_wait3A_156 = arith.constant 0 : i32
          %dma_wait3A_157 = tpu.memref_slice %arg11[%dma_wait3A_156] : memref<96xi32, #tpu.memory_space<vmem>> -> memref<16xi32, #tpu.memory_space<vmem>>
          %dma_wait3A_158 = tpu.memref_slice %arg3[%add3A_153] : memref<320000xi32, #tpu.memory_space<hbm>> -> memref<16xi32, #tpu.memory_space<hbm>>
          %dma_wait3A_159 = arith.constant 0 : i32
          %dma_wait3A_160 = tpu.memref_slice %arg11[%dma_wait3A_159] : memref<96xi32, #tpu.memory_space<vmem>> -> memref<16xi32, #tpu.memory_space<vmem>>
          %dma_wait3A_161 = tpu.memref_slice %arg3[%add3A_153] : memref<320000xi32, #tpu.memory_space<hbm>> -> memref<16xi32, #tpu.memory_space<hbm>>
          tpu.wait_dma2 semaphore(%arg32 : memref<!tpu.dma_semaphore, #tpu.memory_space<semaphore_mem>>) src(%dma_wait3A_161 : memref<16xi32, #tpu.memory_space<hbm>>) dst(%dma_wait3A_160 : memref<16xi32, #tpu.memory_space<vmem>>)
          %dma_wait3A_162 = arith.constant 16 : i32
          %dma_wait3A_163 = tpu.memref_slice %arg11[%dma_wait3A_162] : memref<96xi32, #tpu.memory_space<vmem>> -> memref<80xi32, #tpu.memory_space<vmem>>
          %dma_wait3A_164 = tpu.memref_slice %arg5[%mul3A_155] : memref<2560xi32, #tpu.memory_space<hbm>> -> memref<80xi32, #tpu.memory_space<hbm>>
          %dma_wait3A_165 = arith.constant 16 : i32
          %dma_wait3A_166 = tpu.memref_slice %arg11[%dma_wait3A_165] : memref<96xi32, #tpu.memory_space<vmem>> -> memref<80xi32, #tpu.memory_space<vmem>>
          %dma_wait3A_167 = tpu.memref_slice %arg5[%mul3A_155] : memref<2560xi32, #tpu.memory_space<hbm>> -> memref<80xi32, #tpu.memory_space<hbm>>
          tpu.wait_dma2 semaphore(%arg32 : memref<!tpu.dma_semaphore, #tpu.memory_space<semaphore_mem>>) src(%dma_wait3A_167 : memref<80xi32, #tpu.memory_space<hbm>>) dst(%dma_wait3A_166 : memref<80xi32, #tpu.memory_space<vmem>>)
          %dma_wait3A_168 = arith.constant 0 : i32
          %dma_wait3A_169 = tpu.memref_slice %arg15[%dma_wait3A_168] : memref<96xi32, #tpu.memory_space<vmem>> -> memref<16xi32, #tpu.memory_space<vmem>>
          %dma_wait3A_170 = tpu.memref_slice %arg4[%add3A_153] : memref<320000xi32, #tpu.memory_space<hbm>> -> memref<16xi32, #tpu.memory_space<hbm>>
          %dma_wait3A_171 = arith.constant 0 : i32
          %dma_wait3A_172 = tpu.memref_slice %arg15[%dma_wait3A_171] : memref<96xi32, #tpu.memory_space<vmem>> -> memref<16xi32, #tpu.memory_space<vmem>>
          %dma_wait3A_173 = tpu.memref_slice %arg4[%add3A_153] : memref<320000xi32, #tpu.memory_space<hbm>> -> memref<16xi32, #tpu.memory_space<hbm>>
          tpu.wait_dma2 semaphore(%arg32 : memref<!tpu.dma_semaphore, #tpu.memory_space<semaphore_mem>>) src(%dma_wait3A_173 : memref<16xi32, #tpu.memory_space<hbm>>) dst(%dma_wait3A_172 : memref<16xi32, #tpu.memory_space<vmem>>)
          %dma_wait3A_174 = arith.constant 16 : i32
          %dma_wait3A_175 = tpu.memref_slice %arg15[%dma_wait3A_174] : memref<96xi32, #tpu.memory_space<vmem>> -> memref<80xi32, #tpu.memory_space<vmem>>
          %dma_wait3A_176 = tpu.memref_slice %arg6[%mul3A_155] : memref<2560xi32, #tpu.memory_space<hbm>> -> memref<80xi32, #tpu.memory_space<hbm>>
          %dma_wait3A_177 = arith.constant 16 : i32
          %dma_wait3A_178 = tpu.memref_slice %arg15[%dma_wait3A_177] : memref<96xi32, #tpu.memory_space<vmem>> -> memref<80xi32, #tpu.memory_space<vmem>>
          %dma_wait3A_179 = tpu.memref_slice %arg6[%mul3A_155] : memref<2560xi32, #tpu.memory_space<hbm>> -> memref<80xi32, #tpu.memory_space<hbm>>
          tpu.wait_dma2 semaphore(%arg32 : memref<!tpu.dma_semaphore, #tpu.memory_space<semaphore_mem>>) src(%dma_wait3A_179 : memref<80xi32, #tpu.memory_space<hbm>>) dst(%dma_wait3A_178 : memref<80xi32, #tpu.memory_space<vmem>>)
        } else {
        }
        %dma_start3A_148 = arith.constant 0 : i32
        %dma_start3A_149 = arith.constant 0 : i32
        %dma_start3A_150 = tpu.memref_slice %arg2[%dma_start3A_148, %dma_start3A_149] : memref<10000x128xf32, #tpu.memory_space<hbm>> -> memref<10000x128xf32, #tpu.memory_space<hbm>>
        tpu.enqueue_indirect_dma source(%dma_start3A_150 : memref<10000x128xf32, #tpu.memory_space<hbm>>) target(%arg19 : memref<96x128xf32, #tpu.memory_space<vmem>>) offsets(%arg11 : memref<96xi32, #tpu.memory_space<vmem>>) semaphore(%arg24 : memref<!tpu.dma_semaphore, #tpu.memory_space<semaphore_mem>>)
      } else {
      }
      %add3A_124 = arith.constant 1 : i32
      %add3A_125 = arith.addi %add3A_118, %add3A_124 : i32
      %lt3A_126 = arith.constant 105 : i32
      %lt3A_127 = arith.cmpi slt, %add3A_125, %lt3A_126 : i32
      %convert_element_type3A_128 = arith.extui %lt3A_127 : i1 to i32
      %cond3A_129 = arith.constant 0 : i32
      %cond3A_130 = arith.cmpi ne, %convert_element_type3A_128, %cond3A_129 : i32
      scf.if %cond3A_130 {
        %ge3A_139 = arith.constant 3 : i32
        %ge3A_140 = arith.cmpi sge, %add3A_118, %ge3A_139 : i32
        %convert_element_type3A_141 = arith.extui %ge3A_140 : i1 to i32
        %cond3A_142 = arith.constant 0 : i32
        %cond3A_143 = arith.cmpi ne, %convert_element_type3A_141, %cond3A_142 : i32
        scf.if %cond3A_143 {
          %dma_wait3A_155 = arith.constant 0 : i32
          %dma_wait3A_156 = arith.constant 0 : i32
          %dma_wait3A_157 = tpu.memref_slice %arg20[%dma_wait3A_155, %dma_wait3A_156] : memref<10112x128xf32, #tpu.memory_space<vmem_shared>> -> memref<10112x128xf32, #tpu.memory_space<vmem_shared>>
          tpu.wait_indirect_dma semaphore(%arg25 : memref<!tpu.dma_semaphore, #tpu.memory_space<semaphore_mem>>) src(%arg16 : memref<96x128xf32, #tpu.memory_space<vmem>>) dst(%dma_wait3A_157 : memref<10112x128xf32, #tpu.memory_space<vmem_shared>>)
        } else {
        }
        %add3A_144 = arith.constant 1 : i32
        %add3A_145 = arith.addi %add3A_118, %add3A_144 : i32
        %lt3A_146 = arith.constant 104 : i32
        %lt3A_147 = arith.cmpi slt, %add3A_145, %lt3A_146 : i32
        %convert_element_type3A_148 = arith.extui %lt3A_147 : i1 to i32
        %cond3A_149 = arith.constant 0 : i32
        %cond3A_150 = arith.cmpi ne, %convert_element_type3A_148, %cond3A_149 : i32
        scf.if %cond3A_150 {
          %mul3A_155 = arith.constant 96 : i32
          %mul3A_156 = arith.muli %add3A_145, %mul3A_155 : i32
          %add3A_157 = arith.addi %mul3A_4, %mul3A_156 : i32
          %dma_start3A_158 = tpu.memref_slice %arg3[%add3A_157] : memref<320000xi32, #tpu.memory_space<hbm>> -> memref<96xi32, #tpu.memory_space<hbm>>
          %dma_start3A_159 = tpu.memref_slice %arg3[%add3A_157] : memref<320000xi32, #tpu.memory_space<hbm>> -> memref<96xi32, #tpu.memory_space<hbm>>
          tpu.enqueue_dma source(%dma_start3A_159 : memref<96xi32, #tpu.memory_space<hbm>>) target(%arg8 : memref<96xi32, #tpu.memory_space<vmem>>) target_semaphore(%arg29 : memref<!tpu.dma_semaphore, #tpu.memory_space<semaphore_mem>>)
          %dma_start3A_160 = tpu.memref_slice %arg4[%add3A_157] : memref<320000xi32, #tpu.memory_space<hbm>> -> memref<96xi32, #tpu.memory_space<hbm>>
          %dma_start3A_161 = tpu.memref_slice %arg4[%add3A_157] : memref<320000xi32, #tpu.memory_space<hbm>> -> memref<96xi32, #tpu.memory_space<hbm>>
          tpu.enqueue_dma source(%dma_start3A_161 : memref<96xi32, #tpu.memory_space<hbm>>) target(%arg12 : memref<96xi32, #tpu.memory_space<vmem>>) target_semaphore(%arg29 : memref<!tpu.dma_semaphore, #tpu.memory_space<semaphore_mem>>)
        } else {
        }
        %eq3A = arith.constant 104 : i32
        %eq3A_151 = arith.cmpi eq, %add3A_145, %eq3A : i32
        %convert_element_type3A_152 = arith.extui %eq3A_151 : i1 to i32
        %cond3A_153 = arith.constant 0 : i32
        %cond3A_154 = arith.cmpi ne, %convert_element_type3A_152, %cond3A_153 : i32
        scf.if %cond3A_154 {
          %mul3A_155 = arith.constant 96 : i32
          %mul3A_156 = arith.muli %add3A_145, %mul3A_155 : i32
          %add3A_157 = arith.addi %mul3A_4, %mul3A_156 : i32
          %mul3A_158 = arith.constant 80 : i32
          %mul3A_159 = arith.muli %add3A, %mul3A_158 : i32
          %dma_start3A_160 = arith.constant 0 : i32
          %dma_start3A_161 = tpu.memref_slice %arg8[%dma_start3A_160] : memref<96xi32, #tpu.memory_space<vmem>> -> memref<16xi32, #tpu.memory_space<vmem>>
          %dma_start3A_162 = tpu.memref_slice %arg3[%add3A_157] : memref<320000xi32, #tpu.memory_space<hbm>> -> memref<16xi32, #tpu.memory_space<hbm>>
          %dma_start3A_163 = arith.constant 0 : i32
          %dma_start3A_164 = tpu.memref_slice %arg8[%dma_start3A_163] : memref<96xi32, #tpu.memory_space<vmem>> -> memref<16xi32, #tpu.memory_space<vmem>>
          %dma_start3A_165 = tpu.memref_slice %arg3[%add3A_157] : memref<320000xi32, #tpu.memory_space<hbm>> -> memref<16xi32, #tpu.memory_space<hbm>>
          tpu.enqueue_dma source(%dma_start3A_165 : memref<16xi32, #tpu.memory_space<hbm>>) target(%dma_start3A_164 : memref<16xi32, #tpu.memory_space<vmem>>) target_semaphore(%arg29 : memref<!tpu.dma_semaphore, #tpu.memory_space<semaphore_mem>>)
          %dma_start3A_166 = arith.constant 16 : i32
          %dma_start3A_167 = tpu.memref_slice %arg8[%dma_start3A_166] : memref<96xi32, #tpu.memory_space<vmem>> -> memref<80xi32, #tpu.memory_space<vmem>>
          %dma_start3A_168 = tpu.memref_slice %arg5[%mul3A_159] : memref<2560xi32, #tpu.memory_space<hbm>> -> memref<80xi32, #tpu.memory_space<hbm>>
          %dma_start3A_169 = arith.constant 16 : i32
          %dma_start3A_170 = tpu.memref_slice %arg8[%dma_start3A_169] : memref<96xi32, #tpu.memory_space<vmem>> -> memref<80xi32, #tpu.memory_space<vmem>>
          %dma_start3A_171 = tpu.memref_slice %arg5[%mul3A_159] : memref<2560xi32, #tpu.memory_space<hbm>> -> memref<80xi32, #tpu.memory_space<hbm>>
          tpu.enqueue_dma source(%dma_start3A_171 : memref<80xi32, #tpu.memory_space<hbm>>) target(%dma_start3A_170 : memref<80xi32, #tpu.memory_space<vmem>>) target_semaphore(%arg29 : memref<!tpu.dma_semaphore, #tpu.memory_space<semaphore_mem>>)
          %dma_start3A_172 = arith.constant 0 : i32
          %dma_start3A_173 = tpu.memref_slice %arg12[%dma_start3A_172] : memref<96xi32, #tpu.memory_space<vmem>> -> memref<16xi32, #tpu.memory_space<vmem>>
          %dma_start3A_174 = tpu.memref_slice %arg4[%add3A_157] : memref<320000xi32, #tpu.memory_space<hbm>> -> memref<16xi32, #tpu.memory_space<hbm>>
          %dma_start3A_175 = arith.constant 0 : i32
          %dma_start3A_176 = tpu.memref_slice %arg12[%dma_start3A_175] : memref<96xi32, #tpu.memory_space<vmem>> -> memref<16xi32, #tpu.memory_space<vmem>>
          %dma_start3A_177 = tpu.memref_slice %arg4[%add3A_157] : memref<320000xi32, #tpu.memory_space<hbm>> -> memref<16xi32, #tpu.memory_space<hbm>>
          tpu.enqueue_dma source(%dma_start3A_177 : memref<16xi32, #tpu.memory_space<hbm>>) target(%dma_start3A_176 : memref<16xi32, #tpu.memory_space<vmem>>) target_semaphore(%arg29 : memref<!tpu.dma_semaphore, #tpu.memory_space<semaphore_mem>>)
          %dma_start3A_178 = arith.constant 16 : i32
          %dma_start3A_179 = tpu.memref_slice %arg12[%dma_start3A_178] : memref<96xi32, #tpu.memory_space<vmem>> -> memref<80xi32, #tpu.memory_space<vmem>>
          %dma_start3A_180 = tpu.memref_slice %arg6[%mul3A_159] : memref<2560xi32, #tpu.memory_space<hbm>> -> memref<80xi32, #tpu.memory_space<hbm>>
          %dma_start3A_181 = arith.constant 16 : i32
          %dma_start3A_182 = tpu.memref_slice %arg12[%dma_start3A_181] : memref<96xi32, #tpu.memory_space<vmem>> -> memref<80xi32, #tpu.memory_space<vmem>>
          %dma_start3A_183 = tpu.memref_slice %arg6[%mul3A_159] : memref<2560xi32, #tpu.memory_space<hbm>> -> memref<80xi32, #tpu.memory_space<hbm>>
          tpu.enqueue_dma source(%dma_start3A_183 : memref<80xi32, #tpu.memory_space<hbm>>) target(%dma_start3A_182 : memref<80xi32, #tpu.memory_space<vmem>>) target_semaphore(%arg29 : memref<!tpu.dma_semaphore, #tpu.memory_space<semaphore_mem>>)
        } else {
        }
      } else {
      }
      %ge3A_131 = arith.constant 1 : i32
      %ge3A_132 = arith.cmpi sge, %add3A_118, %ge3A_131 : i32
      %le3A_133 = arith.constant 105 : i32
      %le3A_134 = arith.cmpi sle, %add3A_118, %le3A_133 : i32
      %and3A_135 = arith.andi %ge3A_132, %le3A_134 : i1
      %convert_element_type3A_136 = arith.extui %and3A_135 : i1 to i32
      %cond3A_137 = arith.constant 0 : i32
      %cond3A_138 = arith.cmpi ne, %convert_element_type3A_136, %cond3A_137 : i32
      scf.if %cond3A_138 {
        %dma_wait3A_139 = arith.constant 0 : i32
        %dma_wait3A_140 = arith.constant 0 : i32
        %dma_wait3A_141 = tpu.memref_slice %arg2[%dma_wait3A_139, %dma_wait3A_140] : memref<10000x128xf32, #tpu.memory_space<hbm>> -> memref<10000x128xf32, #tpu.memory_space<hbm>>
        tpu.wait_indirect_dma semaphore(%arg23 : memref<!tpu.dma_semaphore, #tpu.memory_space<semaphore_mem>>) src(%dma_wait3A_141 : memref<10000x128xf32, #tpu.memory_space<hbm>>) dst(%arg18 : memref<96x128xf32, #tpu.memory_space<vmem>>)
        %dma_start3A_142 = arith.constant 0 : i32
        %dma_start3A_143 = arith.constant 0 : i32
        %dma_start3A_144 = tpu.memref_slice %arg20[%dma_start3A_142, %dma_start3A_143] : memref<10112x128xf32, #tpu.memory_space<vmem_shared>> -> memref<10112x128xf32, #tpu.memory_space<vmem_shared>>
        tpu.enqueue_indirect_dma source(%arg18 : memref<96x128xf32, #tpu.memory_space<vmem>>) target(%dma_start3A_144 : memref<10112x128xf32, #tpu.memory_space<vmem_shared>>) offsets(%arg14 : memref<96xi32, #tpu.memory_space<vmem>>) semaphore(%arg27 : memref<!tpu.dma_semaphore, #tpu.memory_space<semaphore_mem>>) {add = true}
      } else {
      }
    }
    %scan3A_35 = arith.constant 27 : i32
    %dma_wait3A = arith.constant 0 : i32
    %dma_wait3A_36 = arith.constant 0 : i32
    %dma_wait3A_37 = tpu.memref_slice %arg20[%dma_wait3A, %dma_wait3A_36] : memref<10112x128xf32, #tpu.memory_space<vmem_shared>> -> memref<10112x128xf32, #tpu.memory_space<vmem_shared>>
    tpu.wait_indirect_dma semaphore(%arg25 : memref<!tpu.dma_semaphore, #tpu.memory_space<semaphore_mem>>) src(%arg16 : memref<96x128xf32, #tpu.memory_space<vmem>>) dst(%dma_wait3A_37 : memref<10112x128xf32, #tpu.memory_space<vmem_shared>>)
    %dma_wait3A_38 = arith.constant 0 : i32
    %dma_wait3A_39 = arith.constant 0 : i32
    %dma_wait3A_40 = tpu.memref_slice %arg20[%dma_wait3A_38, %dma_wait3A_39] : memref<10112x128xf32, #tpu.memory_space<vmem_shared>> -> memref<10112x128xf32, #tpu.memory_space<vmem_shared>>
    tpu.wait_indirect_dma semaphore(%arg26 : memref<!tpu.dma_semaphore, #tpu.memory_space<semaphore_mem>>) src(%arg17 : memref<96x128xf32, #tpu.memory_space<vmem>>) dst(%dma_wait3A_40 : memref<10112x128xf32, #tpu.memory_space<vmem_shared>>)
    %dma_wait3A_41 = arith.constant 0 : i32
    %dma_wait3A_42 = arith.constant 0 : i32
    %dma_wait3A_43 = tpu.memref_slice %arg20[%dma_wait3A_41, %dma_wait3A_42] : memref<10112x128xf32, #tpu.memory_space<vmem_shared>> -> memref<10112x128xf32, #tpu.memory_space<vmem_shared>>
    tpu.wait_indirect_dma semaphore(%arg27 : memref<!tpu.dma_semaphore, #tpu.memory_space<semaphore_mem>>) src(%arg18 : memref<96x128xf32, #tpu.memory_space<vmem>>) dst(%dma_wait3A_43 : memref<10112x128xf32, #tpu.memory_space<vmem_shared>>)
    %dma_wait3A_44 = arith.constant 0 : i32
    %dma_wait3A_45 = arith.constant 0 : i32
    %dma_wait3A_46 = tpu.memref_slice %arg20[%dma_wait3A_44, %dma_wait3A_45] : memref<10112x128xf32, #tpu.memory_space<vmem_shared>> -> memref<10112x128xf32, #tpu.memory_space<vmem_shared>>
    tpu.wait_indirect_dma semaphore(%arg28 : memref<!tpu.dma_semaphore, #tpu.memory_space<semaphore_mem>>) src(%arg19 : memref<96x128xf32, #tpu.memory_space<vmem>>) dst(%dma_wait3A_46 : memref<10112x128xf32, #tpu.memory_space<vmem_shared>>)
    %barrier3A_47 = arith.constant 0 : index
    tpu.barrier barrier_id(%barrier3A_47)
    "tpu.region"() ({
      %run_scoped3A = tpu.sem_alloc : memref<!tpu.dma_semaphore, #tpu.memory_space<semaphore_mem>>
      %dma_start3A_48 = arith.constant 0 : i32
      %dma_start3A_49 = tpu.memref_slice %arg7[%arg0, %mul3A_2, %dma_start3A_48] : memref<2x10112x128xf32, #tpu.memory_space<hbm>> -> memref<1x632x128xf32, #tpu.memory_space<hbm>>
      %dma_start3A_50 = tpu.memref_squeeze %dma_start3A_49 : memref<1x632x128xf32, #tpu.memory_space<hbm>> -> memref<632x128xf32, #tpu.memory_space<hbm>>
      %dma_start3A_51 = arith.constant 0 : i32
      %dma_start3A_52 = tpu.memref_slice %arg20[%mul3A_2, %dma_start3A_51] : memref<10112x128xf32, #tpu.memory_space<vmem_shared>> -> memref<632x128xf32, #tpu.memory_space<vmem_shared>>
      tpu.enqueue_dma source(%dma_start3A_52 : memref<632x128xf32, #tpu.memory_space<vmem_shared>>) target(%dma_start3A_50 : memref<632x128xf32, #tpu.memory_space<hbm>>) target_semaphore(%run_scoped3A : memref<!tpu.dma_semaphore, #tpu.memory_space<semaphore_mem>>)
      %dma_wait3A_53 = arith.constant 0 : i32
      %dma_wait3A_54 = tpu.memref_slice %arg7[%arg0, %mul3A_2, %dma_wait3A_53] : memref<2x10112x128xf32, #tpu.memory_space<hbm>> -> memref<1x632x128xf32, #tpu.memory_space<hbm>>
      %dma_wait3A_55 = tpu.memref_squeeze %dma_wait3A_54 : memref<1x632x128xf32, #tpu.memory_space<hbm>> -> memref<632x128xf32, #tpu.memory_space<hbm>>
      %dma_wait3A_56 = arith.constant 0 : i32
      %dma_wait3A_57 = tpu.memref_slice %arg20[%mul3A_2, %dma_wait3A_56] : memref<10112x128xf32, #tpu.memory_space<vmem_shared>> -> memref<632x128xf32, #tpu.memory_space<vmem_shared>>
      tpu.wait_dma2 semaphore(%run_scoped3A : memref<!tpu.dma_semaphore, #tpu.memory_space<semaphore_mem>>) src(%dma_wait3A_57 : memref<632x128xf32, #tpu.memory_space<vmem_shared>>) dst(%dma_wait3A_55 : memref<632x128xf32, #tpu.memory_space<hbm>>)
      tpu.yield
    }) : () -> ()
    return
  }
}

module attributes {stable_mosaic.version = 14 : i64} {
  func.func @_pool0_body(%arg0: memref<10000x128xf32, #tpu.memory_space<vmem>>, %arg1: memref<1x10000xi32, #tpu.memory_space<vmem>>, %arg2: memref<128x32xf32, #tpu.memory_space<vmem>>, %arg3: memref<1x32xf32, #tpu.memory_space<vmem>>, %arg4: memref<128x32xf32, #tpu.memory_space<vmem>>) attributes {dimension_semantics = [], scalar_prefetch = 0 : i64, scratch_operands = 0 : i64, tpu.core_type = #tpu.core_type<tc>} {
    %get3A = arith.constant 0 : index
    %get3A_0 = arith.constant 0 : index
    %get3A_1 = vector.load %arg0[%get3A, %get3A_0] : memref<10000x128xf32, #tpu.memory_space<vmem>>, vector<10000x128xf32>
    %get3A_2 = arith.constant 0 : index
    %get3A_3 = arith.constant 0 : index
    %get3A_4 = vector.load %arg2[%get3A_2, %get3A_3] : memref<128x32xf32, #tpu.memory_space<vmem>>, vector<128x32xf32>
    %dot_general3A = arith.constant dense<0.000000e+00> : vector<10000x32xf32>
    %dot_general3A_5 = tpu.matmul %get3A_1, %get3A_4, %dot_general3A {dimension_numbers = #tpu.dot_dimension_numbers<[1], [0], [0], [1], [0, 0, 1, 1], [], []>, transpose_lhs_hint = false} : vector<10000x128xf32>, vector<128x32xf32>, vector<10000x32xf32> -> vector<10000x32xf32>
    %get3A_6 = arith.constant 0 : index
    %get3A_7 = arith.constant 0 : index
    %get3A_8 = vector.load %arg3[%get3A_6, %get3A_7] : memref<1x32xf32, #tpu.memory_space<vmem>>, vector<1x32xf32>
    %add3A = vector.broadcast %get3A_8 : vector<1x32xf32> to vector<10000x32xf32>
    %add3A_9 = arith.addf %dot_general3A_5, %add3A : vector<10000x32xf32>
    %iota3A = tpu.iota {dimensions = array<i32: 0>} : vector<128x1xi32>
    %get3A_10 = arith.constant 0 : index
    %get3A_11 = arith.constant 0 : index
    %get3A_12 = vector.load %arg1[%get3A_10, %get3A_11] : memref<1x10000xi32, #tpu.memory_space<vmem>>, vector<1x10000xi32>
    %eq3A = vector.broadcast %iota3A : vector<128x1xi32> to vector<128x10000xi32>
    %eq3A_13 = vector.broadcast %get3A_12 : vector<1x10000xi32> to vector<128x10000xi32>
    %eq3A_14 = arith.cmpi eq, %eq3A, %eq3A_13 : vector<128x10000xi32>
    %convert_element_type3A = arith.extui %eq3A_14 : vector<128x10000xi1> to vector<128x10000xi32>
    %convert_element_type3A_15 = arith.sitofp %convert_element_type3A : vector<128x10000xi32> to vector<128x10000xf32>
    %dot_general3A_16 = arith.constant dense<0.000000e+00> : vector<128x32xf32>
    %dot_general3A_17 = tpu.matmul %convert_element_type3A_15, %add3A_9, %dot_general3A_16 {dimension_numbers = #tpu.dot_dimension_numbers<[1], [0], [0], [1], [0, 0, 1, 1], [], []>, transpose_lhs_hint = false} : vector<128x10000xf32>, vector<10000x32xf32>, vector<128x32xf32> -> vector<128x32xf32>
    %swap3A = arith.constant 0 : index
    %swap3A_18 = arith.constant 0 : index
    %swap3A_19 = vector.load %arg4[%swap3A, %swap3A_18] : memref<128x32xf32, #tpu.memory_space<vmem>>, vector<128x32xf32>
    tpu.vector_store %arg4[%swap3A, %swap3A_18], %dot_general3A_17 {strides = array<i32>} : memref<128x32xf32, #tpu.memory_space<vmem>>, vector<128x32xf32>,
    return
  }
}

module attributes {stable_mosaic.version = 14 : i64} {
  func.func @_tc1_body(%arg0: memref<10000x128xf32, #tpu.memory_space<vmem>>, %arg1: memref<128x128xf32, #tpu.memory_space<vmem>>, %arg2: memref<1x128xf32, #tpu.memory_space<vmem>>, %arg3: memref<1x128xf32, #tpu.memory_space<vmem>>, %arg4: memref<1x128xf32, #tpu.memory_space<vmem>>, %arg5: memref<128x128xf32, #tpu.memory_space<vmem>>, %arg6: memref<1x128xf32, #tpu.memory_space<vmem>>, %arg7: memref<1x128xf32, #tpu.memory_space<vmem>>, %arg8: memref<1x128xf32, #tpu.memory_space<vmem>>, %arg9: memref<10000x128xf32, #tpu.memory_space<vmem>>) attributes {dimension_semantics = [], scalar_prefetch = 0 : i64, scratch_operands = 0 : i64, tpu.core_type = #tpu.core_type<tc>} {
    %get3A = arith.constant 0 : index
    %get3A_0 = arith.constant 0 : index
    %get3A_1 = vector.load %arg0[%get3A, %get3A_0] : memref<10000x128xf32, #tpu.memory_space<vmem>>, vector<10000x128xf32>
    %get3A_2 = arith.constant 0 : index
    %get3A_3 = arith.constant 0 : index
    %get3A_4 = vector.load %arg1[%get3A_2, %get3A_3] : memref<128x128xf32, #tpu.memory_space<vmem>>, vector<128x128xf32>
    %dot_general3A = arith.constant dense<0.000000e+00> : vector<10000x128xf32>
    %dot_general3A_5 = tpu.matmul %get3A_1, %get3A_4, %dot_general3A {dimension_numbers = #tpu.dot_dimension_numbers<[1], [0], [0], [1], [0, 0, 1, 1], [], []>, transpose_lhs_hint = false} : vector<10000x128xf32>, vector<128x128xf32>, vector<10000x128xf32> -> vector<10000x128xf32>
    %get3A_6 = arith.constant 0 : index
    %get3A_7 = arith.constant 0 : index
    %get3A_8 = vector.load %arg2[%get3A_6, %get3A_7] : memref<1x128xf32, #tpu.memory_space<vmem>>, vector<1x128xf32>
    %add3A = vector.broadcast %get3A_8 : vector<1x128xf32> to vector<10000x128xf32>
    %add3A_9 = arith.addf %dot_general3A_5, %add3A : vector<10000x128xf32>
    %get3A_10 = arith.constant 0 : index
    %get3A_11 = arith.constant 0 : index
    %get3A_12 = vector.load %arg3[%get3A_10, %get3A_11] : memref<1x128xf32, #tpu.memory_space<vmem>>, vector<1x128xf32>
    %get3A_13 = arith.constant 0 : index
    %get3A_14 = arith.constant 0 : index
    %get3A_15 = vector.load %arg4[%get3A_13, %get3A_14] : memref<1x128xf32, #tpu.memory_space<vmem>>, vector<1x128xf32>
    %reduce_sum3A = arith.constant dense<0.000000e+00> : vector<128xf32>
    %reduce_sum3A_16 = vector.multi_reduction <add>, %add3A_9, %reduce_sum3A [0] : vector<10000x128xf32> to vector<128xf32>
    %broadcast_in_dim3A = vector.shape_cast %reduce_sum3A_16 : vector<128xf32> to vector<1x128xf32>
    %div3A = arith.constant 1.000000e+04 : f32
    %div3A_17 = vector.broadcast %div3A : f32 to vector<1x128xf32>
    %div3A_18 = arith.divf %broadcast_in_dim3A, %div3A_17 : vector<1x128xf32>
    %sub3A = vector.broadcast %div3A_18 : vector<1x128xf32> to vector<10000x128xf32>
    %sub3A_19 = arith.subf %add3A_9, %sub3A : vector<10000x128xf32>
    %sub3A_20 = vector.broadcast %div3A_18 : vector<1x128xf32> to vector<10000x128xf32>
    %sub3A_21 = arith.subf %add3A_9, %sub3A_20 : vector<10000x128xf32>
    %mul3A = arith.mulf %sub3A_19, %sub3A_21 : vector<10000x128xf32>
    %reduce_sum3A_22 = arith.constant dense<0.000000e+00> : vector<128xf32>
    %reduce_sum3A_23 = vector.multi_reduction <add>, %mul3A, %reduce_sum3A_22 [0] : vector<10000x128xf32> to vector<128xf32>
    %broadcast_in_dim3A_24 = vector.shape_cast %reduce_sum3A_23 : vector<128xf32> to vector<1x128xf32>
    %div3A_25 = arith.constant 1.000000e+04 : f32
    %div3A_26 = vector.broadcast %div3A_25 : f32 to vector<1x128xf32>
    %div3A_27 = arith.divf %broadcast_in_dim3A_24, %div3A_26 : vector<1x128xf32>
    %sub3A_28 = vector.broadcast %div3A_18 : vector<1x128xf32> to vector<10000x128xf32>
    %sub3A_29 = arith.subf %add3A_9, %sub3A_28 : vector<10000x128xf32>
    %mul3A_30 = vector.broadcast %get3A_12 : vector<1x128xf32> to vector<10000x128xf32>
    %mul3A_31 = arith.mulf %mul3A_30, %sub3A_29 : vector<10000x128xf32>
    %add3A_32 = arith.constant 9.99999974E-6 : f32
    %add3A_33 = vector.broadcast %add3A_32 : f32 to vector<1x128xf32>
    %add3A_34 = arith.addf %div3A_27, %add3A_33 : vector<1x128xf32>
    %rsqrt3A = math.rsqrt %add3A_34 : vector<1x128xf32>
    %mul3A_35 = vector.broadcast %rsqrt3A : vector<1x128xf32> to vector<10000x128xf32>
    %mul3A_36 = arith.mulf %mul3A_31, %mul3A_35 : vector<10000x128xf32>
    %add3A_37 = vector.broadcast %get3A_15 : vector<1x128xf32> to vector<10000x128xf32>
    %add3A_38 = arith.addf %mul3A_36, %add3A_37 : vector<10000x128xf32>
    %max3A = arith.constant 0.000000e+00 : f32
    %max3A_39 = vector.broadcast %max3A : f32 to vector<10000x128xf32>
    %max3A_40 = arith.maximumf %add3A_38, %max3A_39 : vector<10000x128xf32>
    %get3A_41 = arith.constant 0 : index
    %get3A_42 = arith.constant 0 : index
    %get3A_43 = vector.load %arg5[%get3A_41, %get3A_42] : memref<128x128xf32, #tpu.memory_space<vmem>>, vector<128x128xf32>
    %dot_general3A_44 = arith.constant dense<0.000000e+00> : vector<10000x128xf32>
    %dot_general3A_45 = tpu.matmul %max3A_40, %get3A_43, %dot_general3A_44 {dimension_numbers = #tpu.dot_dimension_numbers<[1], [0], [0], [1], [0, 0, 1, 1], [], []>, transpose_lhs_hint = false} : vector<10000x128xf32>, vector<128x128xf32>, vector<10000x128xf32> -> vector<10000x128xf32>
    %get3A_46 = arith.constant 0 : index
    %get3A_47 = arith.constant 0 : index
    %get3A_48 = vector.load %arg6[%get3A_46, %get3A_47] : memref<1x128xf32, #tpu.memory_space<vmem>>, vector<1x128xf32>
    %add3A_49 = vector.broadcast %get3A_48 : vector<1x128xf32> to vector<10000x128xf32>
    %add3A_50 = arith.addf %dot_general3A_45, %add3A_49 : vector<10000x128xf32>
    %get3A_51 = arith.constant 0 : index
    %get3A_52 = arith.constant 0 : index
    %get3A_53 = vector.load %arg7[%get3A_51, %get3A_52] : memref<1x128xf32, #tpu.memory_space<vmem>>, vector<1x128xf32>
    %get3A_54 = arith.constant 0 : index
    %get3A_55 = arith.constant 0 : index
    %get3A_56 = vector.load %arg8[%get3A_54, %get3A_55] : memref<1x128xf32, #tpu.memory_space<vmem>>, vector<1x128xf32>
    %reduce_sum3A_57 = arith.constant dense<0.000000e+00> : vector<128xf32>
    %reduce_sum3A_58 = vector.multi_reduction <add>, %add3A_50, %reduce_sum3A_57 [0] : vector<10000x128xf32> to vector<128xf32>
    %broadcast_in_dim3A_59 = vector.shape_cast %reduce_sum3A_58 : vector<128xf32> to vector<1x128xf32>
    %div3A_60 = arith.constant 1.000000e+04 : f32
    %div3A_61 = vector.broadcast %div3A_60 : f32 to vector<1x128xf32>
    %div3A_62 = arith.divf %broadcast_in_dim3A_59, %div3A_61 : vector<1x128xf32>
    %sub3A_63 = vector.broadcast %div3A_62 : vector<1x128xf32> to vector<10000x128xf32>
    %sub3A_64 = arith.subf %add3A_50, %sub3A_63 : vector<10000x128xf32>
    %sub3A_65 = vector.broadcast %div3A_62 : vector<1x128xf32> to vector<10000x128xf32>
    %sub3A_66 = arith.subf %add3A_50, %sub3A_65 : vector<10000x128xf32>
    %mul3A_67 = arith.mulf %sub3A_64, %sub3A_66 : vector<10000x128xf32>
    %reduce_sum3A_68 = arith.constant dense<0.000000e+00> : vector<128xf32>
    %reduce_sum3A_69 = vector.multi_reduction <add>, %mul3A_67, %reduce_sum3A_68 [0] : vector<10000x128xf32> to vector<128xf32>
    %broadcast_in_dim3A_70 = vector.shape_cast %reduce_sum3A_69 : vector<128xf32> to vector<1x128xf32>
    %div3A_71 = arith.constant 1.000000e+04 : f32
    %div3A_72 = vector.broadcast %div3A_71 : f32 to vector<1x128xf32>
    %div3A_73 = arith.divf %broadcast_in_dim3A_70, %div3A_72 : vector<1x128xf32>
    %sub3A_74 = vector.broadcast %div3A_62 : vector<1x128xf32> to vector<10000x128xf32>
    %sub3A_75 = arith.subf %add3A_50, %sub3A_74 : vector<10000x128xf32>
    %mul3A_76 = vector.broadcast %get3A_53 : vector<1x128xf32> to vector<10000x128xf32>
    %mul3A_77 = arith.mulf %mul3A_76, %sub3A_75 : vector<10000x128xf32>
    %add3A_78 = arith.constant 9.99999974E-6 : f32
    %add3A_79 = vector.broadcast %add3A_78 : f32 to vector<1x128xf32>
    %add3A_80 = arith.addf %div3A_73, %add3A_79 : vector<1x128xf32>
    %rsqrt3A_81 = math.rsqrt %add3A_80 : vector<1x128xf32>
    %mul3A_82 = vector.broadcast %rsqrt3A_81 : vector<1x128xf32> to vector<10000x128xf32>
    %mul3A_83 = arith.mulf %mul3A_77, %mul3A_82 : vector<10000x128xf32>
    %add3A_84 = vector.broadcast %get3A_56 : vector<1x128xf32> to vector<10000x128xf32>
    %add3A_85 = arith.addf %mul3A_83, %add3A_84 : vector<10000x128xf32>
    %max3A_86 = arith.constant 0.000000e+00 : f32
    %max3A_87 = vector.broadcast %max3A_86 : f32 to vector<10000x128xf32>
    %max3A_88 = arith.maximumf %add3A_85, %max3A_87 : vector<10000x128xf32>
    %swap3A = arith.constant 0 : index
    %swap3A_89 = arith.constant 0 : index
    %swap3A_90 = vector.load %arg9[%swap3A, %swap3A_89] : memref<10000x128xf32, #tpu.memory_space<vmem>>, vector<10000x128xf32>
    tpu.vector_store %arg9[%swap3A, %swap3A_89], %max3A_88 {strides = array<i32>} : memref<10000x128xf32, #tpu.memory_space<vmem>>, vector<10000x128xf32>,
    return
  }
}

module attributes {stable_mosaic.version = 14 : i64} {
  func.func @_tc2_body(%arg0: memref<10000x128xf32, #tpu.memory_space<vmem>>, %arg1: memref<2x10112x128xf32, #tpu.memory_space<vmem>>, %arg2: memref<1x10000xi32, #tpu.memory_space<vmem>>, %arg3: memref<128x32xf32, #tpu.memory_space<vmem>>, %arg4: memref<128x128xf32, #tpu.memory_space<vmem>>, %arg5: memref<1x128xf32, #tpu.memory_space<vmem>>, %arg6: memref<1x128xf32, #tpu.memory_space<vmem>>, %arg7: memref<1x128xf32, #tpu.memory_space<vmem>>, %arg8: memref<128x128xf32, #tpu.memory_space<vmem>>, %arg9: memref<1x128xf32, #tpu.memory_space<vmem>>, %arg10: memref<1x128xf32, #tpu.memory_space<vmem>>, %arg11: memref<1x128xf32, #tpu.memory_space<vmem>>, %arg12: memref<128x32xf32, #tpu.memory_space<vmem>>, %arg13: memref<1x32xf32, #tpu.memory_space<vmem>>, %arg14: memref<128x32xf32, #tpu.memory_space<vmem>>) attributes {dimension_semantics = [], scalar_prefetch = 0 : i64, scratch_operands = 0 : i64, tpu.core_type = #tpu.core_type<tc>} {
    %get3A = arith.constant 0 : index
    %get3A_0 = arith.constant 0 : index
    %get3A_1 = arith.constant 0 : index
    %get3A_2 = vector.load %arg1[%get3A, %get3A_0, %get3A_1] : memref<2x10112x128xf32, #tpu.memory_space<vmem>>, vector<1x10112x128xf32>
    %get3A_3 = vector.shape_cast %get3A_2 : vector<1x10112x128xf32> to vector<10112x128xf32>
    %get3A_4 = arith.constant 1 : index
    %get3A_5 = arith.constant 0 : index
    %get3A_6 = arith.constant 0 : index
    %get3A_7 = vector.load %arg1[%get3A_4, %get3A_5, %get3A_6] : memref<2x10112x128xf32, #tpu.memory_space<vmem>>, vector<1x10112x128xf32>
    %get3A_8 = vector.shape_cast %get3A_7 : vector<1x10112x128xf32> to vector<10112x128xf32>
    %add3A = arith.addf %get3A_3, %get3A_8 : vector<10112x128xf32>
    %slice3A = vector.extract_strided_slice %add3A {offsets = [0, 0], sizes = [10000, 128], strides = [1, 1]} : vector<10112x128xf32> to vector<10000x128xf32>
    %get3A_9 = arith.constant 0 : index
    %get3A_10 = arith.constant 0 : index
    %get3A_11 = vector.load %arg0[%get3A_9, %get3A_10] : memref<10000x128xf32, #tpu.memory_space<vmem>>, vector<10000x128xf32>
    %add3A_12 = arith.addf %get3A_11, %slice3A : vector<10000x128xf32>
    %get3A_13 = arith.constant 0 : index
    %get3A_14 = arith.constant 0 : index
    %get3A_15 = vector.load %arg4[%get3A_13, %get3A_14] : memref<128x128xf32, #tpu.memory_space<vmem>>, vector<128x128xf32>
    %dot_general3A = arith.constant dense<0.000000e+00> : vector<10000x128xf32>
    %dot_general3A_16 = tpu.matmul %add3A_12, %get3A_15, %dot_general3A {dimension_numbers = #tpu.dot_dimension_numbers<[1], [0], [0], [1], [0, 0, 1, 1], [], []>, transpose_lhs_hint = false} : vector<10000x128xf32>, vector<128x128xf32>, vector<10000x128xf32> -> vector<10000x128xf32>
    %get3A_17 = arith.constant 0 : index
    %get3A_18 = arith.constant 0 : index
    %get3A_19 = vector.load %arg5[%get3A_17, %get3A_18] : memref<1x128xf32, #tpu.memory_space<vmem>>, vector<1x128xf32>
    %add3A_20 = vector.broadcast %get3A_19 : vector<1x128xf32> to vector<10000x128xf32>
    %add3A_21 = arith.addf %dot_general3A_16, %add3A_20 : vector<10000x128xf32>
    %get3A_22 = arith.constant 0 : index
    %get3A_23 = arith.constant 0 : index
    %get3A_24 = vector.load %arg6[%get3A_22, %get3A_23] : memref<1x128xf32, #tpu.memory_space<vmem>>, vector<1x128xf32>
    %get3A_25 = arith.constant 0 : index
    %get3A_26 = arith.constant 0 : index
    %get3A_27 = vector.load %arg7[%get3A_25, %get3A_26] : memref<1x128xf32, #tpu.memory_space<vmem>>, vector<1x128xf32>
    %reduce_sum3A = arith.constant dense<0.000000e+00> : vector<128xf32>
    %reduce_sum3A_28 = vector.multi_reduction <add>, %add3A_21, %reduce_sum3A [0] : vector<10000x128xf32> to vector<128xf32>
    %broadcast_in_dim3A = vector.shape_cast %reduce_sum3A_28 : vector<128xf32> to vector<1x128xf32>
    %div3A = arith.constant 1.000000e+04 : f32
    %div3A_29 = vector.broadcast %div3A : f32 to vector<1x128xf32>
    %div3A_30 = arith.divf %broadcast_in_dim3A, %div3A_29 : vector<1x128xf32>
    %sub3A = vector.broadcast %div3A_30 : vector<1x128xf32> to vector<10000x128xf32>
    %sub3A_31 = arith.subf %add3A_21, %sub3A : vector<10000x128xf32>
    %sub3A_32 = vector.broadcast %div3A_30 : vector<1x128xf32> to vector<10000x128xf32>
    %sub3A_33 = arith.subf %add3A_21, %sub3A_32 : vector<10000x128xf32>
    %mul3A = arith.mulf %sub3A_31, %sub3A_33 : vector<10000x128xf32>
    %reduce_sum3A_34 = arith.constant dense<0.000000e+00> : vector<128xf32>
    %reduce_sum3A_35 = vector.multi_reduction <add>, %mul3A, %reduce_sum3A_34 [0] : vector<10000x128xf32> to vector<128xf32>
    %broadcast_in_dim3A_36 = vector.shape_cast %reduce_sum3A_35 : vector<128xf32> to vector<1x128xf32>
    %div3A_37 = arith.constant 1.000000e+04 : f32
    %div3A_38 = vector.broadcast %div3A_37 : f32 to vector<1x128xf32>
    %div3A_39 = arith.divf %broadcast_in_dim3A_36, %div3A_38 : vector<1x128xf32>
    %sub3A_40 = vector.broadcast %div3A_30 : vector<1x128xf32> to vector<10000x128xf32>
    %sub3A_41 = arith.subf %add3A_21, %sub3A_40 : vector<10000x128xf32>
    %mul3A_42 = vector.broadcast %get3A_24 : vector<1x128xf32> to vector<10000x128xf32>
    %mul3A_43 = arith.mulf %mul3A_42, %sub3A_41 : vector<10000x128xf32>
    %add3A_44 = arith.constant 9.99999974E-6 : f32
    %add3A_45 = vector.broadcast %add3A_44 : f32 to vector<1x128xf32>
    %add3A_46 = arith.addf %div3A_39, %add3A_45 : vector<1x128xf32>
    %rsqrt3A = math.rsqrt %add3A_46 : vector<1x128xf32>
    %mul3A_47 = vector.broadcast %rsqrt3A : vector<1x128xf32> to vector<10000x128xf32>
    %mul3A_48 = arith.mulf %mul3A_43, %mul3A_47 : vector<10000x128xf32>
    %add3A_49 = vector.broadcast %get3A_27 : vector<1x128xf32> to vector<10000x128xf32>
    %add3A_50 = arith.addf %mul3A_48, %add3A_49 : vector<10000x128xf32>
    %max3A = arith.constant 0.000000e+00 : f32
    %max3A_51 = vector.broadcast %max3A : f32 to vector<10000x128xf32>
    %max3A_52 = arith.maximumf %add3A_50, %max3A_51 : vector<10000x128xf32>
    %get3A_53 = arith.constant 0 : index
    %get3A_54 = arith.constant 0 : index
    %get3A_55 = vector.load %arg8[%get3A_53, %get3A_54] : memref<128x128xf32, #tpu.memory_space<vmem>>, vector<128x128xf32>
    %dot_general3A_56 = arith.constant dense<0.000000e+00> : vector<10000x128xf32>
    %dot_general3A_57 = tpu.matmul %max3A_52, %get3A_55, %dot_general3A_56 {dimension_numbers = #tpu.dot_dimension_numbers<[1], [0], [0], [1], [0, 0, 1, 1], [], []>, transpose_lhs_hint = false} : vector<10000x128xf32>, vector<128x128xf32>, vector<10000x128xf32> -> vector<10000x128xf32>
    %get3A_58 = arith.constant 0 : index
    %get3A_59 = arith.constant 0 : index
    %get3A_60 = vector.load %arg9[%get3A_58, %get3A_59] : memref<1x128xf32, #tpu.memory_space<vmem>>, vector<1x128xf32>
    %add3A_61 = vector.broadcast %get3A_60 : vector<1x128xf32> to vector<10000x128xf32>
    %add3A_62 = arith.addf %dot_general3A_57, %add3A_61 : vector<10000x128xf32>
    %get3A_63 = arith.constant 0 : index
    %get3A_64 = arith.constant 0 : index
    %get3A_65 = vector.load %arg10[%get3A_63, %get3A_64] : memref<1x128xf32, #tpu.memory_space<vmem>>, vector<1x128xf32>
    %get3A_66 = arith.constant 0 : index
    %get3A_67 = arith.constant 0 : index
    %get3A_68 = vector.load %arg11[%get3A_66, %get3A_67] : memref<1x128xf32, #tpu.memory_space<vmem>>, vector<1x128xf32>
    %reduce_sum3A_69 = arith.constant dense<0.000000e+00> : vector<128xf32>
    %reduce_sum3A_70 = vector.multi_reduction <add>, %add3A_62, %reduce_sum3A_69 [0] : vector<10000x128xf32> to vector<128xf32>
    %broadcast_in_dim3A_71 = vector.shape_cast %reduce_sum3A_70 : vector<128xf32> to vector<1x128xf32>
    %div3A_72 = arith.constant 1.000000e+04 : f32
    %div3A_73 = vector.broadcast %div3A_72 : f32 to vector<1x128xf32>
    %div3A_74 = arith.divf %broadcast_in_dim3A_71, %div3A_73 : vector<1x128xf32>
    %sub3A_75 = vector.broadcast %div3A_74 : vector<1x128xf32> to vector<10000x128xf32>
    %sub3A_76 = arith.subf %add3A_62, %sub3A_75 : vector<10000x128xf32>
    %sub3A_77 = vector.broadcast %div3A_74 : vector<1x128xf32> to vector<10000x128xf32>
    %sub3A_78 = arith.subf %add3A_62, %sub3A_77 : vector<10000x128xf32>
    %mul3A_79 = arith.mulf %sub3A_76, %sub3A_78 : vector<10000x128xf32>
    %reduce_sum3A_80 = arith.constant dense<0.000000e+00> : vector<128xf32>
    %reduce_sum3A_81 = vector.multi_reduction <add>, %mul3A_79, %reduce_sum3A_80 [0] : vector<10000x128xf32> to vector<128xf32>
    %broadcast_in_dim3A_82 = vector.shape_cast %reduce_sum3A_81 : vector<128xf32> to vector<1x128xf32>
    %div3A_83 = arith.constant 1.000000e+04 : f32
    %div3A_84 = vector.broadcast %div3A_83 : f32 to vector<1x128xf32>
    %div3A_85 = arith.divf %broadcast_in_dim3A_82, %div3A_84 : vector<1x128xf32>
    %sub3A_86 = vector.broadcast %div3A_74 : vector<1x128xf32> to vector<10000x128xf32>
    %sub3A_87 = arith.subf %add3A_62, %sub3A_86 : vector<10000x128xf32>
    %mul3A_88 = vector.broadcast %get3A_65 : vector<1x128xf32> to vector<10000x128xf32>
    %mul3A_89 = arith.mulf %mul3A_88, %sub3A_87 : vector<10000x128xf32>
    %add3A_90 = arith.constant 9.99999974E-6 : f32
    %add3A_91 = vector.broadcast %add3A_90 : f32 to vector<1x128xf32>
    %add3A_92 = arith.addf %div3A_85, %add3A_91 : vector<1x128xf32>
    %rsqrt3A_93 = math.rsqrt %add3A_92 : vector<1x128xf32>
    %mul3A_94 = vector.broadcast %rsqrt3A_93 : vector<1x128xf32> to vector<10000x128xf32>
    %mul3A_95 = arith.mulf %mul3A_89, %mul3A_94 : vector<10000x128xf32>
    %add3A_96 = vector.broadcast %get3A_68 : vector<1x128xf32> to vector<10000x128xf32>
    %add3A_97 = arith.addf %mul3A_95, %add3A_96 : vector<10000x128xf32>
    %max3A_98 = arith.constant 0.000000e+00 : f32
    %max3A_99 = vector.broadcast %max3A_98 : f32 to vector<10000x128xf32>
    %max3A_100 = arith.maximumf %add3A_97, %max3A_99 : vector<10000x128xf32>
    %iota3A = tpu.iota {dimensions = array<i32: 0>} : vector<128x1xi32>
    %get3A_101 = arith.constant 0 : index
    %get3A_102 = arith.constant 0 : index
    %get3A_103 = vector.load %arg2[%get3A_101, %get3A_102] : memref<1x10000xi32, #tpu.memory_space<vmem>>, vector<1x10000xi32>
    %eq3A = vector.broadcast %iota3A : vector<128x1xi32> to vector<128x10000xi32>
    %eq3A_104 = vector.broadcast %get3A_103 : vector<1x10000xi32> to vector<128x10000xi32>
    %eq3A_105 = arith.cmpi eq, %eq3A, %eq3A_104 : vector<128x10000xi32>
    %convert_element_type3A = arith.extui %eq3A_105 : vector<128x10000xi1> to vector<128x10000xi32>
    %convert_element_type3A_106 = arith.sitofp %convert_element_type3A : vector<128x10000xi32> to vector<128x10000xf32>
    %dot_general3A_107 = arith.constant dense<0.000000e+00> : vector<128x128xf32>
    %dot_general3A_108 = tpu.matmul %convert_element_type3A_106, %max3A_100, %dot_general3A_107 {dimension_numbers = #tpu.dot_dimension_numbers<[1], [0], [0], [1], [0, 0, 1, 1], [], []>, transpose_lhs_hint = false} : vector<128x10000xf32>, vector<10000x128xf32>, vector<128x128xf32> -> vector<128x128xf32>
    %get3A_109 = arith.constant 0 : index
    %get3A_110 = arith.constant 0 : index
    %get3A_111 = vector.load %arg3[%get3A_109, %get3A_110] : memref<128x32xf32, #tpu.memory_space<vmem>>, vector<128x32xf32>
    %get3A_112 = arith.constant 0 : index
    %get3A_113 = arith.constant 0 : index
    %get3A_114 = vector.load %arg12[%get3A_112, %get3A_113] : memref<128x32xf32, #tpu.memory_space<vmem>>, vector<128x32xf32>
    %dot_general3A_115 = arith.constant dense<0.000000e+00> : vector<128x32xf32>
    %dot_general3A_116 = tpu.matmul %dot_general3A_108, %get3A_114, %dot_general3A_115 {dimension_numbers = #tpu.dot_dimension_numbers<[1], [0], [0], [1], [0, 0, 1, 1], [], []>, transpose_lhs_hint = false} : vector<128x128xf32>, vector<128x32xf32>, vector<128x32xf32> -> vector<128x32xf32>
    %add3A_117 = arith.addf %get3A_111, %dot_general3A_116 : vector<128x32xf32>
    %get3A_118 = arith.constant 0 : index
    %get3A_119 = arith.constant 0 : index
    %get3A_120 = vector.load %arg13[%get3A_118, %get3A_119] : memref<1x32xf32, #tpu.memory_space<vmem>>, vector<1x32xf32>
    %add3A_121 = vector.broadcast %get3A_120 : vector<1x32xf32> to vector<128x32xf32>
    %add3A_122 = arith.addf %add3A_117, %add3A_121 : vector<128x32xf32>
    %reduce_max3A = arith.constant dense<0xFF800000> : vector<128xf32>
    %reduce_max3A_123 = vector.multi_reduction <maximumf>, %add3A_122, %reduce_max3A [1] : vector<128x32xf32> to vector<128xf32>
    %broadcast_in_dim3A_124 = vector.shape_cast %reduce_max3A_123 : vector<128xf32> to vector<128x1xf32>
    %sub3A_125 = vector.broadcast %broadcast_in_dim3A_124 : vector<128x1xf32> to vector<128x32xf32>
    %sub3A_126 = arith.subf %add3A_122, %sub3A_125 : vector<128x32xf32>
    %exp3A = math.exp %sub3A_126 : vector<128x32xf32>
    %reduce_sum3A_127 = arith.constant dense<0.000000e+00> : vector<128xf32>
    %reduce_sum3A_128 = vector.multi_reduction <add>, %exp3A, %reduce_sum3A_127 [1] : vector<128x32xf32> to vector<128xf32>
    %broadcast_in_dim3A_129 = vector.shape_cast %reduce_sum3A_128 : vector<128xf32> to vector<128x1xf32>
    %log3A = math.log %broadcast_in_dim3A_129 : vector<128x1xf32>
    %add3A_130 = arith.addf %log3A, %broadcast_in_dim3A_124 : vector<128x1xf32>
    %sub3A_131 = vector.broadcast %add3A_130 : vector<128x1xf32> to vector<128x32xf32>
    %sub3A_132 = arith.subf %add3A_122, %sub3A_131 : vector<128x32xf32>
    %swap3A = arith.constant 0 : index
    %swap3A_133 = arith.constant 0 : index
    %swap3A_134 = vector.load %arg14[%swap3A, %swap3A_133] : memref<128x32xf32, #tpu.memory_space<vmem>>, vector<128x32xf32>
    tpu.vector_store %arg14[%swap3A, %swap3A_133], %sub3A_132 {strides = array<i32>} : memref<128x32xf32, #tpu.memory_space<vmem>>, vector<128x32xf32>,
    return
  }
}

</mosaic_0001>

<sc_bundles>
// kernel: kernel.6.cloned.1.call-start
scs
__scs_entry_jumppad:
0x0: {  	(pc) =	sbr.rel $0x88, $3  }
0x1: {  	(tag) =	ssettag $0x0;
	lr =	simm.s32 $0x1  }
0x2: {  	[smem:$0x3F8A] =	sst lr;
	_ =	strace $0xD0000000  }
0x3: {  	_ = 	snop  }
0x4: {  	_ = 	snop  }
0x5: {  	_ = 	snop  }
0x6: {  	_ = 	snop  }
0x7: {  	_ = 	snop  }
__scs_overlays_trampoline_lowered:
0x8: {  	[smem:$0x3F99] =	sst s0  }
0x9: {  	[smem:$0x3F9A] =	sst s1  }
0xa: {  	[smem:$0x3F9B] =	sst s2  }
0xb: {  	[smem:$0x3F9C] =	sst s3  }
0xc: {  	[smem:$0x3F9D] =	sst s4  }
0xd: {  	[smem:$0x3F9E] =	sst s5  }
0xe: {  	[smem:$0x3F9F] =	sst s6  }
0xf: {  	[smem:$0x3FA0] =	sst s7  }
0x10: {  	[smem:$0x3FA1] =	sst s8  }
0x11: {  	[smem:$0x3FA2] =	sst s9;
	s0 =	simm.s32 @!p0 $0x0  }
0x12: {  	s1 =	sld [smem:$0x3F88];
	s0 =	simm.s32 @p0 $0x1  }
0x13: {  	[smem:$0x3FA3] =	sst s0;
	s0 =	simm.s32 @!p1 $0x0  }
0x14: {  	s2 =	sld [smem:$0x3F87];
	s0 =	simm.s32 @p1 $0x1  }
0x15: {  	[smem:$0x3FA4] =	sst s0;
	s0 =	simm.s32 @!p2 $0x0  }
0x16: {  	s3 =	sld [smem:$0x3FDB];
	s0 =	simm.s32 @p2 $0x1  }
0x17: {  	s4 =	simm.s32 $0x1BF5;
	[smem:$0x3FA6] =	sst s0  }
0x18: {  	s0 =	sld [smem:$0x3F89];
	_ =	swait.ge [sflag:s4], $0x0  }
0x19: {  	s7 =	sld [smem:$0x3F8A]  }
0x1a: {  	s8 =	sadd.s32 $0xFFFFE003, lr  }
0x1b: {  	s9 =	sadd.s32 $0xFFFFFEF7, lr;
	s5 =	simm.s32 $0xFFFFFFFF;
	p2 =	slt.u32 s8, $0xFFFFF086  }
0x1c: {  	p1 =	slt.u32 s9, $0xF7A;
	s5 =	simm.s32 @!p2 $0x0  }
0x1d: {  	s5 =	simm.s32 @p1 $0x1;
	p0 =	seq.s32 s7, s2  }
0x1e: {  	s7 =	smul.u32 @!p0 $0xF7A, s2;
	p2 =	seq.s32 @!p0 s5, $0x0  }
0x1f: {  	s9 =	smul.u32 $0xF7A, s1;
	s8 =	simm.s32 @!p0 $0x1BF5;
	p2 =	por !p2, p0  }
0x20: {  	[sflag:s8] =	ssyncset.s32 @!p0 $0xFFFFF086;
	s6 =	sadd.s32 @!p0 s3, s7;
	s7 =	simm.s32 @!p0 $0x108  }
0x21: {  	s3 =	sadd.s32 s3, s9;
	s6 =	sadd.s32 @!p0 $0x88, s6;
	s7 =	simm.s32 @p2 $0x1082  }
0x22: {  	[simem:s7], [sflag:s8] =	dma.local @!p0 [hbm:s6], $0xF7A  }
0x23: {  	s9 =	sor.u32 $0xD0000000, s2;
	s6 =	simm.s32 $0x108;
	_ =	swait.ge @!p0 [sflag:s8], $0x0  }
0x24: {  	s3 =	sadd.s32 $0x88, s3;
	s6 =	simm.s32 @!p1 $0x1082;
	[sflag:s4] =	ssyncset.s32 $0xFFFFF086  }
0x25: {  	[simem:s6], [sflag:s4] =	dma.local [hbm:s3], $0xF7A  }
0x26: {  	[smem:$0x3F8A] =	sst s1;
	(tag) =	ssettag s2;
	_ =	strace s9  }
0x27: {  	s1 =	sld [smem:$0x3F9A]  }
0x28: {  	s2 =	sld [smem:$0x3F9B]  }
0x29: {  	s4 =	sld [smem:$0x3F9D]  }
0x2a: {  	p0 =	seq.s32 s5, $0x0;
	s5 =	sld [smem:$0x3F9E]  }
0x2b: {  	s6 =	sld [smem:$0x3F9F]  }
0x2c: {  	s7 =	sld [smem:$0x3FA0]  }
0x2d: {  	s3 =	simm.s32 $0x108;
	s8 =	sld [smem:$0x3FA1]  }
0x2e: {  	s3 =	simm.s32 @!p0 $0x1082;
	s9 =	sld [smem:$0x3FA2]  }
0x2f: {  	lr =	sadd.s32 s0, s3;
	s0 =	sld [smem:$0x3F99]  }
0x30: {  	s3 =	sld [smem:$0x3F9C]  }
0x31: {  	[smem:$0x3FA5] =	sst s10  }
0x32: {  	s10 =	sld [smem:$0x3FA3];
	_ =	sdelay $0x3  }
0x33: {  	p0 =	seq.s32 s10, $0x1;
	s10 =	sld [smem:$0x3FA5];
	_ =	sdelay $0x3  }
0x34: {  	[smem:$0x3FA5] =	sst s10  }
0x35: {  	s10 =	sld [smem:$0x3FA4];
	_ =	sdelay $0x3  }
0x36: {  	p1 =	seq.s32 s10, $0x1;
	s10 =	sld [smem:$0x3FA5];
	_ =	sdelay $0x3  }
0x37: {  	[smem:$0x3FA5] =	sst s10  }
0x38: {  	s10 =	sld [smem:$0x3FA6]  }
0x39: {  	_ = 	snop;
	(pc) =	sbr.ind lr, $3  }
0x3a: {  	_ = 	snop  }
0x3b: {  	_ = 	snop  }
0x3c: {  	p2 =	seq.s32 s10, $0x1;
	s10 =	sld [smem:$0x3FA5]  }
0x3d: {  	_ =	shalt  }
0x3e: {  	_ =	shalt  }
0x3f: {  	_ =	shalt  }
0x40: {  	_ =	shalt  }
0x41: {  	_ =	shalt  }
0x42: {  	_ =	shalt  }
0x43: {  	_ =	shalt  }
0x44: {  	_ =	shalt  }
0x45: {  	_ =	shalt  }
0x46: {  	_ =	shalt  }
0x47: {  	_ =	shalt  }
0x48: {  	_ =	shalt  }
0x49: {  	_ =	shalt  }
0x4a: {  	_ =	shalt  }
0x4b: {  	_ =	shalt  }
0x4c: {  	_ =	shalt  }
0x4d: {  	_ =	shalt  }
0x4e: {  	_ =	shalt  }
0x4f: {  	_ =	shalt  }
0x50: {  	_ =	shalt  }
0x51: {  	_ =	shalt  }
0x52: {  	_ =	shalt  }
0x53: {  	_ =	shalt  }
0x54: {  	_ =	shalt  }
0x55: {  	_ =	shalt  }
0x56: {  	_ =	shalt  }
0x57: {  	_ =	shalt  }
0x58: {  	_ =	shalt  }
0x59: {  	_ =	shalt  }
0x5a: {  	_ =	shalt  }
0x5b: {  	_ =	shalt  }
0x5c: {  	_ =	shalt  }
0x5d: {  	_ =	shalt  }
0x5e: {  	_ =	shalt  }
0x5f: {  	_ =	shalt  }
0x60: {  	_ =	shalt  }
0x61: {  	_ =	shalt  }
0x62: {  	_ =	shalt  }
0x63: {  	_ =	shalt  }
0x64: {  	_ =	shalt  }
0x65: {  	_ =	shalt  }
0x66: {  	_ =	shalt  }
0x67: {  	_ =	shalt  }
0x68: {  	_ =	shalt  }
0x69: {  	_ =	shalt  }
0x6a: {  	_ =	shalt  }
0x6b: {  	_ =	shalt  }
0x6c: {  	_ =	shalt  }
0x6d: {  	_ =	shalt  }
0x6e: {  	_ =	shalt  }
0x6f: {  	_ =	shalt  }
0x70: {  	_ =	shalt  }
0x71: {  	_ =	shalt  }
0x72: {  	_ =	shalt  }
0x73: {  	_ =	shalt  }
0x74: {  	_ =	shalt  }
0x75: {  	_ =	shalt  }
0x76: {  	_ =	shalt  }
0x77: {  	_ =	shalt  }
0x78: {  	_ =	shalt  }
0x79: {  	_ =	shalt  }
0x7a: {  	_ =	shalt  }
0x7b: {  	_ =	shalt  }
0x7c: {  	_ =	shalt  }
0x7d: {  	_ =	shalt  }
0x7e: {  	_ =	shalt  }
0x7f: {  	_ =	shalt  }
0x80: {  	_ =	shalt  }
0x81: {  	_ =	shalt  }
0x82: {  	_ =	shalt  }
0x83: {  	_ =	shalt  }
0x84: {  	_ =	shalt  }
0x85: {  	_ =	shalt  }
0x86: {  	_ =	shalt  }
0x87: {  	_ =	shalt  }
.Lfunc_end0:
.L_simem_size_0:
called_computation_lowered:
.L_overlay_start_0:
0x88: {  	s2 =	sld [smem:$0x3FD9]  }
0x89: {  	s3 =	sld [smem:$0x3FFE];
	_ =	sdelay $0x1  }
0x8a: {  	s1 =	srdreg.scid  }
0x8b: {  	s0 =	sand.u32 $0x1, s1  }
0x8c: {  	s17 =	sshll.u32 s0, $0xA;
	s2 =	sadd.s32 s3, s2  }
0x8d: {  	s2 =	sadd.s32 s2, s17  }
0x8e: {  	[smem:$0x3FB1] =	sst s2  }
0x8f: {  	_ = 	snop  }
0x90: {  	s2 =	sld [smem:$0x3FD0];
	(tm) =	ssettm $0x1  }
0x91: {  	s18 =	sld [smem:$0x3FFB];
	_ =	sdelay $0x3  }
0x92: {  	_ =	strace s18  }
0x93: {  	s3 =	sld [smem:$0x3FFC];
	_ =	sdelay $0x3  }
0x94: {  	_ =	strace s3  }
0x95: {  	s3 =	sld [smem:$0x3FFD];
	_ =	sdelay $0x3  }
0x96: {  	_ =	strace s3  }
0x97: {  	_ =	strace $0x8FFFFFFF  }
0x98: {  	s19 =	sld [smem:$0x3FDB];
	_ =	sdelay $0x1  }
0x99: {  	s4 =	simm.s32 $_scs_section_size  }
0x9a: {  	s5 =	simm.s32 $_size__tile_overlayer_lowered;
	s6 =	simm.s32 $_tile_overlayer_lowered  }
0x9b: {  	s22 =	simm.s32 $0x1BFF;
	s21 =	sshll.u32 s6, $0x1;
	s3 =	sadd.s32 s4, s19  }
0x9c: {  	s7 =	simm.s32 $0x0;
	s20 =	sshll.u32 s5, $0x1;
	s5 =	sadd.s32 s21, s3  }
0x9d: {  	[timem:s7], [sflag:s22] =	dma.local [hbm:s5], s20  }
0x9e: {  	_ =	swait.ge [sflag:s22], s20  }
0x9f: {  	s4 =	ssub.s32 $0x0, s20;
	[sflag:s22] =	ssyncset.done $0x0  }
0xa0: {  	[sflag:s22] =	ssyncadd.s32 s4;
	_ =	sdelay $0x1  }
0xa1: {  	s23 =	simm.s32 $0x1B8B  }
0xa2: {  	_ =	swait.ge [sflag:s23], $0x1  }
0xa3: {  	[sflag:s23] =	ssyncset.done $0x0  }
0xa4: {  	s25 =	simm.s32 $0x1B8E;
	s24 =	sld [smem:$0x3FFE];
	[sflag:s23] =	ssyncadd.s32 $0xFFFFFFFF  }
0xa5: {  	s26 =	simm.s32 $execute0_lowered;
	[smem:$0x3FD2] =	sst s25  }
0xa6: {  	s5 =	sshll.u32 s26, $0x1;
	_ =	strace $0x80000046;
	[dreg:$0x1] =	wrdreg $0xFFFFFFFF  }
0xa7: {  	s28 =	simm.s32 $_size_execute0_lowered;
	s3 =	sadd.s32 s3, s5;
	[dreg:$0x0] =	wrdreg $0x0  }
0xa8: {  	s5 =	sshll.u32 s28, $0x1;
	[dreg:$0x2] =	wrdreg s3  }
0xa9: {  	[dreg:$0x3] =	wrdreg s5  }
0xaa: {  	[dreg:$0x4] =	wrdreg $0xC0  }
0xab: {  	_ =	task [dreg:s7], $0x5FFFF  }
0xac: {  	[dreg:$0x1] =	wrdreg $0xFFFFFFFF  }
0xad: {  	[dreg:$0x0] =	wrdreg $0x60  }
0xae: {  	[dreg:$0x2] =	wrdreg s24  }
0xaf: {  	[dreg:$0x3] =	wrdreg s2  }
0xb0: {  	[dreg:$0x4] =	wrdreg $0xC4000  }
0xb1: {  	[dreg:$0x5] =	wrdreg $0x9  }
0xb2: {  	_ =	task.clear_ibuf [dreg:s7], $0x6FFFF;
	_ =	strace $0x90000046  }
0xb3: {  	s29 =	simm.s32 $0x9;
	_ =	strace $0x80000048  }
0xb4: {  	_ =	swait.ge [sflag:s29], $0x1  }
0xb5: {  	[sflag:s29] =	ssyncadd.s32 $0xFFFFFFFF  }
0xb6: {  	_ =	strace $0x90000048  }
0xb7: {  	_ =	sfence  }
0xb8: {  	s30 =	sld [smem:$0x0];
	_ =	sdelay $0x2  }
0xb9: {  	s31 =	sshll.u32 s1, $0xD;
	s1 =	sshrl.u32 s1, $0x2  }
0xba: {  	s3 =	sand.u32 $0x4000, s31;
	s1 =	sadd.s32 s1, s30  }
0xbb: {  	s0 =	sor.u32 s3, s0;
	s1 =	sshll.u32 s1, $0x11  }
0xbc: {  	s0 =	sor.u32 s1, s0  }
0xbd: {  	s0 =	sadd.s32 $0x8F2B, s0  }
0xbe: {  	[sflag:s0] =	ssyncadd.remote.s32 $0x1  }
0xbf: {  	_ =	sfence.sel $0xFFFF  }
0xc0: {  	[dreg:$0x0] =	wrdreg $0xFFFFFFFF;
	(pc) =	sbr.abs _section_cstart, $3  }
0xc1: {  	[dreg:$0x1] =	wrdreg $0xFFFFFFFF  }
0xc2: {  	_ =	task.clear_ibuf [dreg:s7], $0x2FFFF;
	_ =	strace $0x9FFFFFFF  }
0xc3: {  	(tm) =	ssettm $0x7FFFFFFF  }
tec
execute0_lowered:
.L_overlay_start_1:
0x0: {  	(tag) =	ssettag $0x1  }
0x1: {  	s0 =	rddreg [dreg:$0x0]  }
0x2: {  	s1 =	rddreg [dreg:$0x1]  }
0x3: {  	s2 =	rddreg [dreg:$0x2]  }
0x4: {  	s4 =	srdreg.scid;
	s3 =	simm.s32 $0x0;
	s12 =	stileid.u32  }
0x5: {  	s30 =	simm.s32 $0x9400;
	s31 =	simm.s32 $0xD;
	s8 =	smul.u32 $0x13C00, s12  }
0x6: {  	s28 =	simm.s32 $0xA;
	s5 =	sand.u32 $0x1, s4;
	s23 =	smul.u32 $0x4F000, s12  }
0x7: {  	[smem:$0x7FF] =	sst s3;
	s22 =	sshll.u32 s12, $0x1;
	s26 =	smul.u32 $0x4E20, s12  }
0x8: {  	s4 =	sadd.s32 $0x17400, s0;
	s13 =	sadd.s32 $0xD400, s0;
	s6 =	smul.u32 $0x13C000, s5  }
0x9: {  	s7 =	sor.u32 s5, s22;
	s11 =	ssub.s32 $0x2, s5;
	s5 =	smul.u32 $0x2710, s5  }
0xa: {  	s14 =	sadd.s32 $0x3600, s0;
	_ =	strace $0x80000047;
	s9 =	smul.u32 $0xA, s7  }
0xb: {  	s24 =	sshrl.u32 s11, $0x1;
	s7 =	smul.u32 $0x2710, s7;
	s6 =	sadd.s32 s8, s6  }
0xc: {  	s8 =	sshrl.u32 s23, $0x2;
	s18 =	sadd.s32 s5, s26;
	s23 =	smov.u32 s13  }
0xd: {  	s10 =	sadd.s32 s9, s0;
	s6 =	sshrl.u32 s6, $0x3;
	s15 =	sadd.s32 s8, s2  }
0xe: {  	s7 =	sshrl.u32 s7, $0x3;
	s1 =	sadd.s32 s1, s9;
	s9 =	sadd.s32 $0xC0, s18  }
0xf: {  	s0 =	sadd.s32 s6, s0;
	s6 =	ssub.s32 s11, s24;
	[dreg:$0xb] =	wrdreg s1  }
0x10: {  	s8 =	sadd.s32 $0x3000, s15;
	s25 =	sadd.s32 $0x6000, s15;
	[dreg:$0x4] =	wrdreg s15  }
0x11: {  	s29 =	sadd.s32 $0x9000, s15;
	s12 =	sadd.s32 s13, s7;
	[dreg:$0x5] =	wrdreg s8  }
0x12: {  	s16 =	sadd.s32 s14, s7;
	s7 =	sadd.s32 $0x4E0, s7;
	[dreg:$0x6] =	wrdreg s25  }
0x13: {  	s26 =	sadd.s32 $0x17200, s10;
	s10 =	sadd.s32 $0x60, s18;
	[dreg:$0x7] =	wrdreg s29  }
0x14: {  	s11 =	sshrl.u32 s9, $0x3;
	s24 =	smov.u32 s14;
	[dreg:$0x8] =	wrdreg s12  }
0x15: {  	s1 =	simm.s32 $0x9;
	s9 =	simm.s32 $0x400;
	[dreg:$0x9] =	wrdreg s16  }
0x16: {  	s17 =	sadd.s32 s13, s7;
	s25 =	sadd.s32 s14, s7;
	[dreg:$0xd] =	wrdreg s26  }
0x17: {  	s29 =	sadd.s32 $0x120, s18;
	s0 =	sadd.s32 $0x3E600, s0;
	s7 =	smax.u32 s6, $0x1  }
0x18: {  	s12 =	sshrl.u32 s10, $0x3;
	s21 =	sadd.s32 s11, s14;
	[dreg:$0xa] =	wrdreg s17  }
0x19: {  	s22 =	sadd.s32 s11, s13;
	s18 =	sadd.s32 $0x180, s18;
	[dreg:$0xc] =	wrdreg s25  }
0x1a: {  	s26 =	sadd.s32 $0xF000, s15;
	s10 =	simm.s32 $0x4;
	[dreg:$0xe] =	wrdreg s0  }
0x1b: {  	s11 =	simm.s32 $0x380;
	s6 =	simm.s32 $0x0;
	[dreg:$0xf] =	wrdreg s7  }
0x1c: {  	s8 =	sshrl.u32 s29, $0x3;
	s16 =	sadd.s32 s12, s14;
	[dreg:$0x12] =	wrdreg s18  }
0x1d: {  	s17 =	sadd.s32 s12, s13;
	s25 =	sadd.s32 $0xC000, s15;
	[dreg:$0x14] =	wrdreg s26  }
.Ltmp0:
0x1e: {  	s29 =	sadd.s32 $0x12000, s15;
	[dreg:$0x10] =	wrdreg s16;
	(pc) =	sbr.rel .LBB2_1-.Ltmp0, $4  }
0x1f: {  	s0 =	simm.s32 $0x200;
	s12 =	simm.s32 $0x3;
	[dreg:$0x11] =	wrdreg s17  }
0x20: {  	s18 =	simm.s32 $0x6400;
	s26 =	simm.s32 $0x5;
	[dreg:$0x13] =	wrdreg s25  }
0x21: {  	s19 =	sadd.s32 s8, s14;
	s20 =	sadd.s32 s8, s13;
	[dreg:$0x15] =	wrdreg s29  }
0x22: {  	v0 =	vimm.f32 $0.0e+00;
	s8 =	simm.s32 $0x60;
	s17 =	simm.s32 $0x300;
	s25 =	simm.s32 $0x80  }
.LBB2_15:
0x23: {  	_ =	swait.ge [sflag:s26], $0x3000  }
0x24: {  	[sflag:s26] =	ssyncset.done $0x0  }
0x25: {  	s5 =	simm.s32 $0x6;
	[sflag:s26] =	ssyncadd.s32 $0xFFFFD000  }
0x26: {  	_ =	swait.ge [sflag:s5], $0x3000  }
0x27: {  	[sflag:s5] =	ssyncset.done $0x0  }
0x28: {  	s13 =	simm.s32 $0x7;
	[sflag:s5] =	ssyncadd.s32 $0xFFFFD000  }
0x29: {  	_ =	swait.ge [sflag:s13], $0x3000  }
0x2a: {  	[sflag:s13] =	ssyncset.done $0x0  }
0x2b: {  	s14 =	simm.s32 $0x8;
	[sflag:s13] =	ssyncadd.s32 $0xFFFFD000  }
0x2c: {  	_ =	swait.ge [sflag:s14], $0x3000  }
0x2d: {  	[sflag:s14] =	ssyncset.done $0x0  }
0x2e: {  	[sflag:s14] =	ssyncadd.s32 $0xFFFFD000  }
0x2f: {  	s15 =	stileid.u32;
	[bflag:$0x0] =	sbarrier.arrive $0xFFFF  }
0x30: {  	s5 =	sshll.u32 s15, $0x6;
	s15 =	rddreg [dreg:$0x4]  }
0x31: {  	s5 =	sor.u32 $0x1C0D, s5;
	s7 =	rddreg [dreg:$0xe];
	s6 =	sshrl.u32 s15, $0x3  }
0x32: {  	[hbm:s7], [sflag:s5] =	dma.local [spmem:s6], $0x2780  }
0x33: {  	_ =	swait.ge [sflag:s31], $0x2780  }
0x34: {  	s16 =	rddreg [dreg:$0x16]  }
0x35: {  	s29 =	rddreg [dreg:$0xf];
	s6 =	sadd.s32 $0x1, s16  }
0x36: {  	p0 =	sne.s32 s6, s29  }
.Ltmp1:
0x37: {  	_ = 	snop;
	(pc) =	sbr.rel @!p0 .LBB2_16-.Ltmp1, $3  }
0x38: {  	_ =	sdelay $0x1  }
0x39: {  	[sflag:s31] =	ssyncset.done $0x0  }
0x3a: {  	[sflag:s31] =	ssyncadd.s32 $0xFFFFD880  }
.LBB2_1:
0x3b: {  	[dreg:$0x16] =	wrdreg s6;
	s5 =	simm.s32 $0x0;
	s6 =	simm.s32 $0x200  }
.LBB2_2:
0x3c: {  	p0 =	sne.s32 s6, $0xBE00;
	[tilespmem:s5+$0x9470] =	vst v0  }
0x3d: {  	[tilespmem:s5+$0x9400] =	vst v0  }
0x3e: {  	[tilespmem:s5+$0x9410] =	vst v0  }
.Ltmp2:
0x3f: {  	[tilespmem:s5+$0x9420] =	vst v0;
	(pc) =	sbr.rel @p0 .LBB2_2-.Ltmp2, $4  }
0x40: {  	[tilespmem:s5+$0x9430] =	vst v0  }
0x41: {  	[tilespmem:s5+$0x9440] =	vst v0  }
0x42: {  	[tilespmem:s5+$0x9450] =	vst v0  }
0x43: {  	[tilespmem:s5+$0x9460] =	vst v0;
	s5 =	sshra.s32 s6, $0x2;
	s6 =	sadd.s32 $0x200, s6  }
0x44: {  	[tilespmem:s5+$0x9470] =	vst v0  }
0x45: {  	[tilespmem:s5+$0x9400] =	vst v0  }
0x46: {  	[tilespmem:s5+$0x9410] =	vst v0  }
0x47: {  	[tilespmem:s5+$0x9420] =	vst v0  }
0x48: {  	[tilespmem:s5+$0x9430] =	vst v0  }
0x49: {  	[tilespmem:s5+$0x9440] =	vst v0  }
0x4a: {  	[tilespmem:s5+$0x9450] =	vst v0  }
0x4b: {  	[tilespmem:s5+$0x9460] =	vst v0  }
0x4c: {  	[spmem:s15] =	stream.linear.scatter [tilespmem:s30], [sflag:$0xD], $0x3000, $0x38;
	v63 =	vld [tilespmem:$0x0]  }
0x4d: {  	_ =	swait.ge [sflag:s31], $0x3000  }
0x4e: {  	[sflag:s31] =	ssyncset.done $0x0  }
0x4f: {  	s15 =	rddreg [dreg:$0x5];
	[sflag:s31] =	ssyncadd.s32 $0xFFFFD000  }
0x50: {  	[spmem:s15] =	stream.linear.scatter [tilespmem:s30], [sflag:$0xD], $0x3000, $0x38;
	v63 =	vld [tilespmem:$0x0]  }
0x51: {  	_ =	swait.ge [sflag:s31], $0x3000  }
0x52: {  	[sflag:s31] =	ssyncset.done $0x0  }
0x53: {  	s16 =	rddreg [dreg:$0x6];
	[sflag:s31] =	ssyncadd.s32 $0xFFFFD000  }
0x54: {  	[spmem:s16] =	stream.linear.scatter [tilespmem:s30], [sflag:$0xD], $0x3000, $0x38;
	v63 =	vld [tilespmem:$0x0]  }
0x55: {  	_ =	swait.ge [sflag:s31], $0x3000  }
0x56: {  	[sflag:s31] =	ssyncset.done $0x0  }
0x57: {  	s6 =	rddreg [dreg:$0x7];
	[sflag:s31] =	ssyncadd.s32 $0xFFFFD000  }
0x58: {  	[spmem:s6] =	stream.linear.scatter [tilespmem:s30], [sflag:$0xD], $0x3000, $0x38;
	v63 =	vld [tilespmem:$0x0]  }
0x59: {  	_ =	swait.ge [sflag:s31], $0x3000  }
0x5a: {  	[sflag:s31] =	ssyncset.done $0x0  }
0x5b: {  	s7 =	rddreg [dreg:$0x13];
	[sflag:s31] =	ssyncadd.s32 $0xFFFFD000  }
0x5c: {  	[spmem:s7] =	stream.linear.scatter [tilespmem:s30], [sflag:$0xD], $0x3000, $0x38;
	v63 =	vld [tilespmem:$0x0]  }
0x5d: {  	_ =	swait.ge [sflag:s31], $0x3000  }
0x5e: {  	[sflag:s31] =	ssyncset.done $0x0  }
0x5f: {  	s13 =	rddreg [dreg:$0x14];
	[sflag:s31] =	ssyncadd.s32 $0xFFFFD000  }
0x60: {  	[spmem:s13] =	stream.linear.scatter [tilespmem:s30], [sflag:$0xD], $0x3000, $0x38;
	v63 =	vld [tilespmem:$0x0]  }
0x61: {  	_ =	swait.ge [sflag:s31], $0x3000  }
0x62: {  	[sflag:s31] =	ssyncset.done $0x0  }
0x63: {  	s14 =	rddreg [dreg:$0x15];
	[sflag:s31] =	ssyncadd.s32 $0xFFFFD000  }
0x64: {  	[spmem:s14] =	stream.linear.scatter [tilespmem:s30], [sflag:$0xD], $0x1C00, $0x38;
	v63 =	vld [tilespmem:$0x0]  }
0x65: {  	_ =	swait.ge [sflag:s31], $0x1C00  }
0x66: {  	[sflag:s31] =	ssyncset.done $0x0  }
0x67: {  	[sflag:s31] =	ssyncadd.s32 $0xFFFFE400  }
0x68: {  	[bflag:$0x0] =	sbarrier.arrive $0xFFFF  }
.Ltmp3:
0x69: {  	s15 =	rddreg [dreg:$0x8];
	(pc) =	sbr.rel .LBB2_4-.Ltmp3, $4  }
0x6a: {  	s29 =	simm.s32 $0x0;
	s16 =	rddreg [dreg:$0x9]  }
0x6b: {  	[tilespmem:s29], [sflag:$0x9] =	stream.linear.gather [hbm4b:s15+s29], $0x60, $0x38;
	v63 =	vld [tilespmem:$0x0]  }
0x6c: {  	s5 =	simm.s32 $0x3;
	s6 =	rddreg [dreg:$0x12]  }
0x6d: {  	[tilespmem:s0], [sflag:$0x9] =	stream.linear.gather [hbm4b:s16+s29], $0x60, $0x38;
	v63 =	vld [tilespmem:$0x0]  }
.LBB2_17:
0x6e: {  	s7 =	rddreg [dreg:$0xa]  }
0x6f: {  	[tilespmem:s3], [sflag:$0x9] =	stream.linear.gather [hbm4b:s7+s3], $0x10, $0x38;
	v63 =	vld [tilespmem:$0x0]  }
0x70: {  	s16 =	rddreg [dreg:$0xb];
	s13 =	simm.s32 $0x10  }
0x71: {  	[tilespmem:s13], [sflag:$0x9] =	stream.linear.gather [hbm4b:s16+s3], $0x50, $0x38;
	v63 =	vld [tilespmem:$0x0]  }
0x72: {  	s14 =	rddreg [dreg:$0xc]  }
0x73: {  	[tilespmem:s0], [sflag:$0x9] =	stream.linear.gather [hbm4b:s14+s3], $0x10, $0x38;
	v63 =	vld [tilespmem:$0x0]  }
0x74: {  	s15 =	rddreg [dreg:$0xd];
	s16 =	simm.s32 $0x210  }
0x75: {  	[tilespmem:s16], [sflag:$0x9] =	stream.linear.gather [hbm4b:s15+s3], $0x50, $0x38;
	v63 =	vld [tilespmem:$0x0]  }
.LBB2_13:
0x76: {  	_ =	swait.ge [sflag:s12], $0x3000  }
0x77: {  	[sflag:s12] =	ssyncset.done $0x0  }
0x78: {  	[sflag:s12] =	ssyncadd.s32 $0xFFFFD000  }
0x79: {  	[spmem:s2] =	stream.indirect.scatter.add.f32 [tilespmem:s18], [sflag:$0x7], $0x80, s17, s8, $0xb8;
	v63 =	vld [tilespmem:$0x0]  }
.LBB2_14:
0x7a: {  	s29 =	sadd.s32 $0x30, s29  }
0x7b: {  	p0 =	sne.s32 s29, $0x510  }
.Ltmp4:
0x7c: {  	_ = 	snop;
	(pc) =	sbr.rel @!p0 .LBB2_15-.Ltmp4, $2  }
0x7d: {  	_ =	sdelay $0x2  }
0x7e: {  	s5 =	sadd.s32 $0x4, s5;
	s6 =	sadd.s32 $0x180, s6  }
.LBB2_4:
0x7f: {  	p0 =	sne.s32 s29, $0x4E0  }
.Ltmp5:
0x80: {  	_ = 	snop;
	(pc) =	sbr.rel @p0 .LBB2_7-.Ltmp5, $1  }
0x81: {  	_ =	sdelay $0x3  }
0x82: {  	_ =	swait.ge [sflag:s1], $0x10  }
0x83: {  	[sflag:s1] =	ssyncset.done $0x0  }
0x84: {  	[sflag:s1] =	ssyncadd.s32 $0xFFFFFFF0  }
0x85: {  	_ =	swait.ge [sflag:s1], $0x50  }
0x86: {  	[sflag:s1] =	ssyncset.done $0x0  }
0x87: {  	[sflag:s1] =	ssyncadd.s32 $0xFFFFFFB0  }
0x88: {  	_ =	swait.ge [sflag:s1], $0x10  }
0x89: {  	[sflag:s1] =	ssyncset.done $0x0  }
.Ltmp6:
0x8a: {  	[sflag:s1] =	ssyncadd.s32 $0xFFFFFFF0;
	(pc) =	sbr.rel .LBB2_6-.Ltmp6, $4  }
0x8b: {  	_ =	swait.ge [sflag:s1], $0x50  }
0x8c: {  	[sflag:s1] =	ssyncset.done $0x0  }
0x8d: {  	[sflag:s1] =	ssyncadd.s32 $0xFFFFFFB0  }
0x8e: {  	[tilespmem:s9], [sflag:$0x1] =	stream.indirect.gather [hbm4b:s4+s8], $0x80, s3, s8, $0xb8;
	v63 =	vld [tilespmem:$0x0]  }
.LBB2_7:
0x8f: {  	_ =	swait.ge [sflag:s1], $0x60;
	s13 =	sadd.s32 $0xFFFFFFFE, s5  }
0x90: {  	[sflag:s1] =	ssyncset.done $0x0;
	p0 =	sgt.u32 s13, $0x68  }
.Ltmp7:
0x91: {  	[sflag:s1] =	ssyncadd.s32 $0xFFFFFFA0;
	(pc) =	sbr.rel @p0 .LBB2_6-.Ltmp7, $4  }
0x92: {  	_ =	swait.ge [sflag:s1], $0x60  }
0x93: {  	[sflag:s1] =	ssyncset.done $0x0  }
0x94: {  	[sflag:s1] =	ssyncadd.s32 $0xFFFFFFA0  }
0x95: {  	[tilespmem:s9], [sflag:$0x1] =	stream.indirect.gather [hbm4b:s4+s8], $0x80, s3, s8, $0xb8;
	v63 =	vld [tilespmem:$0x0]  }
0x96: {  	p0 =	seq.s32 s29, $0x0  }
0x97: {  	s13 =	simm.s32 @!p0 $0x6  }
0x98: {  	_ =	swait.ge @!p0 [sflag:s13], $0x3000  }
0x99: {  	[sflag:s13] =	ssyncset.done @!p0 $0x0;
	s7 =	rddreg [dreg:$0x11]  }
0x9a: {  	[sflag:s13] =	ssyncadd.s32 @!p0 $0xFFFFD000;
	s15 =	sadd.s32 s29, s7  }
0x9b: {  	[tilespmem:s25], [sflag:$0xA] =	stream.linear.gather [hbm4b:s15+s3], $0x60, $0x38;
	v63 =	vld [tilespmem:$0x0]  }
0x9c: {  	s16 =	rddreg [dreg:$0x10];
	s15 =	sadd.s32 $0xFFFFFFFC, s5  }
0x9d: {  	s14 =	simm.s32 $0x280;
	s7 =	sadd.s32 s29, s16;
	p0 =	slt.u32 s15, $0x69  }
0x9e: {  	[tilespmem:s14], [sflag:$0xA] =	stream.linear.gather [hbm4b:s7+s3], $0x60, $0x38;
	v63 =	vld [tilespmem:$0x0]  }
0x9f: {  	s13 =	simm.s32 @p0 $0x4  }
0xa0: {  	_ =	swait.ge @p0 [sflag:s13], $0x3000  }
0xa1: {  	s14 =	simm.s32 @p0 $0x380;
	[sflag:s13] =	ssyncset.done @p0 $0x0  }
0xa2: {  	s7 =	simm.s32 @p0 $0x9400;
	[sflag:s13] =	ssyncadd.s32 @p0 $0xFFFFD000;
	s13 =	simm.s32 @p0 $0x60  }
0xa3: {  	[spmem:s2] =	stream.indirect.scatter.add.f32 @p0 [tilespmem:s7], [sflag:$0x8], $0x80, s14, s13, $0xb8;
	v63 =	vld [tilespmem:$0x0]  }
0xa4: {  	_ =	swait.ge [sflag:s28], $0x60  }
0xa5: {  	[sflag:s28] =	ssyncset.done $0x0  }
.Ltmp8:
0xa6: {  	[sflag:s28] =	ssyncadd.s32 $0xFFFFFFA0;
	(pc) =	sbr.rel .LBB2_9-.Ltmp8, $4  }
0xa7: {  	_ =	swait.ge [sflag:s28], $0x60  }
0xa8: {  	[sflag:s28] =	ssyncset.done $0x0  }
0xa9: {  	s16 =	simm.s32 $0x3400;
	[sflag:s28] =	ssyncadd.s32 $0xFFFFFFA0  }
0xaa: {  	[tilespmem:s16], [sflag:$0x2] =	stream.indirect.gather [hbm4b:s4+s8], $0x80, s25, s8, $0xb8;
	v63 =	vld [tilespmem:$0x0]  }
.LBB2_6:
0xab: {  	_ =	swait.ge [sflag:s10], $0x3000  }
0xac: {  	[sflag:s10] =	ssyncset.done $0x0  }
0xad: {  	[sflag:s10] =	ssyncadd.s32 $0xFFFFD000  }
0xae: {  	[spmem:s2] =	stream.indirect.scatter.add.f32 [tilespmem:s30], [sflag:$0x8], $0x80, s11, s8, $0xb8;
	v63 =	vld [tilespmem:$0x0]  }
.LBB2_9:
0xaf: {  	s7 =	sadd.s32 $0xFFFFFFFF, s5  }
0xb0: {  	p0 =	sgt.u32 s7, $0x68  }
0xb1: {  	s13 =	simm.s32 @p0 $0x1  }
0xb2: {  	s14 =	simm.s32 @p0 $0x200;
	_ =	swait.ge @p0 [sflag:s13], $0x3000  }
0xb3: {  	s15 =	simm.s32 @p0 $0x400;
	p1 =	seq.s32 @!p0 s29, $0x0;
	[sflag:s13] =	ssyncset.done @p0 $0x0  }
0xb4: {  	p1 =	por p1, p0;
	[sflag:s13] =	ssyncadd.s32 @p0 $0xFFFFD000;
	s13 =	simm.s32 @p0 $0x60  }
0xb5: {  	[spmem:s2] =	stream.indirect.scatter.add.f32 @p0 [tilespmem:s15], [sflag:$0x5], $0x80, s14, s13, $0xb8;
	v63 =	vld [tilespmem:$0x0]  }
0xb6: {  	s13 =	simm.s32 @!p1 $0x7  }
0xb7: {  	_ =	swait.ge @!p1 [sflag:s13], $0x3000  }
0xb8: {  	s14 =	simm.s32 @!p0 $0x0;
	[sflag:s13] =	ssyncset.done @!p1 $0x0  }
0xb9: {  	s15 =	simm.s32 @!p0 $0x100;
	[sflag:s13] =	ssyncadd.s32 @!p1 $0xFFFFD000;
	s13 =	sadd.s32 @!p0 s29, s22  }
0xba: {  	[tilespmem:s15], [sflag:$0xB] =	stream.linear.gather @!p0 [hbm4b:s13+s14], $0x60, $0x38;
	v63 =	vld [tilespmem:$0x0]  }
0xbb: {  	s16 =	simm.s32 @!p0 $0x300;
	s13 =	sadd.s32 @!p0 s29, s21  }
0xbc: {  	[tilespmem:s16], [sflag:$0xB] =	stream.linear.gather @!p0 [hbm4b:s13+s14], $0x60, $0x38;
	v63 =	vld [tilespmem:$0x0]  }
0xbd: {  	s13 =	simm.s32 @!p0 $0x1  }
0xbe: {  	_ =	swait.ge @!p0 [sflag:s13], $0x3000  }
0xbf: {  	s14 =	simm.s32 @!p0 $0x200;
	[sflag:s13] =	ssyncset.done @!p0 $0x0  }
0xc0: {  	s16 =	simm.s32 @!p0 $0x400;
	[sflag:s13] =	ssyncadd.s32 @!p0 $0xFFFFD000;
	s13 =	simm.s32 @!p0 $0x60  }
0xc1: {  	[spmem:s2] =	stream.indirect.scatter.add.f32 @!p0 [tilespmem:s16], [sflag:$0x5], $0x80, s14, s13, $0xb8;
	v63 =	vld [tilespmem:$0x0]  }
0xc2: {  	s14 =	simm.s32 @!p0 $0xB  }
0xc3: {  	_ =	swait.ge @!p0 [sflag:s14], $0x60  }
0xc4: {  	[sflag:s14] =	ssyncset.done @!p0 $0x0  }
0xc5: {  	[sflag:s14] =	ssyncadd.s32 @!p0 $0xFFFFFFA0  }
0xc6: {  	_ =	swait.ge @!p0 [sflag:s14], $0x60  }
0xc7: {  	[sflag:s14] =	ssyncset.done @!p0 $0x0  }
0xc8: {  	[sflag:s14] =	ssyncadd.s32 @!p0 $0xFFFFFFA0;
	s14 =	simm.s32 @!p0 $0x6400  }
0xc9: {  	[tilespmem:s14], [sflag:$0x3] =	stream.indirect.gather @!p0 [hbm4b:s4+s13], $0x80, s15, s13, $0xb8;
	v63 =	vld [tilespmem:$0x0]  }
0xca: {  	p0 =	sgt.u32 s5, $0x68  }
0xcb: {  	p1 =	seq.s32 @!p0 s29, $0x0  }
0xcc: {  	p1 =	por p1, p0  }
0xcd: {  	s13 =	simm.s32 @!p1 $0x8  }
0xce: {  	_ =	swait.ge @!p1 [sflag:s13], $0x3000  }
0xcf: {  	s14 =	simm.s32 @!p0 $0x0;
	s15 =	simm.s32 @!p0 $0x180;
	[sflag:s13] =	ssyncset.done @!p1 $0x0  }
0xd0: {  	[sflag:s13] =	ssyncadd.s32 @!p1 $0xFFFFD000;
	s13 =	sadd.s32 @!p0 s29, s20;
	p1 =	sgt.u32 s7, $0x69  }
0xd1: {  	[tilespmem:s15], [sflag:$0xC] =	stream.linear.gather @!p0 [hbm4b:s13+s14], $0x60, $0x38;
	v63 =	vld [tilespmem:$0x0]  }
0xd2: {  	s16 =	simm.s32 @!p0 $0x380;
	s13 =	sadd.s32 @!p0 s29, s19;
	s7 =	simm.s32 @!p1 $0x2  }
0xd3: {  	[tilespmem:s16], [sflag:$0xC] =	stream.linear.gather @!p0 [hbm4b:s13+s14], $0x60, $0x38;
	v63 =	vld [tilespmem:$0x0]  }
0xd4: {  	_ =	swait.ge @!p1 [sflag:s7], $0x3000  }
0xd5: {  	s13 =	simm.s32 @!p1 $0x280;
	[sflag:s7] =	ssyncset.done @!p1 $0x0  }
0xd6: {  	s14 =	simm.s32 @!p1 $0x3400;
	[sflag:s7] =	ssyncadd.s32 @!p1 $0xFFFFD000;
	s7 =	simm.s32 @!p1 $0x60  }
0xd7: {  	[spmem:s2] =	stream.indirect.scatter.add.f32 @!p1 [tilespmem:s14], [sflag:$0x6], $0x80, s13, s7, $0xb8;
	v63 =	vld [tilespmem:$0x0]  }
0xd8: {  	s7 =	simm.s32 @!p0 $0xC  }
0xd9: {  	_ =	swait.ge @!p0 [sflag:s7], $0x60  }
0xda: {  	[sflag:s7] =	ssyncset.done @!p0 $0x0  }
0xdb: {  	[sflag:s7] =	ssyncadd.s32 @!p0 $0xFFFFFFA0  }
0xdc: {  	_ =	swait.ge @!p0 [sflag:s7], $0x60  }
0xdd: {  	[sflag:s7] =	ssyncset.done @!p0 $0x0  }
0xde: {  	s13 =	simm.s32 @!p0 $0x9400;
	[sflag:s7] =	ssyncadd.s32 @!p0 $0xFFFFFFA0;
	s7 =	simm.s32 @!p0 $0x60  }
0xdf: {  	[tilespmem:s13], [sflag:$0x4] =	stream.indirect.gather @!p0 [hbm4b:s4+s7], $0x80, s15, s7, $0xb8;
	v63 =	vld [tilespmem:$0x0]  }
0xe0: {  	p0 =	seq.s32 s29, $0x4E0  }
.Ltmp9:
0xe1: {  	_ = 	snop;
	(pc) =	sbr.rel @p0 .LBB2_12-.Ltmp9, $1  }
0xe2: {  	_ =	sdelay $0x3  }
0xe3: {  	p0 =	seq.s32 s29, $0x4B0  }
.Ltmp10:
0xe4: {  	_ = 	snop;
	(pc) =	sbr.rel @p0 .LBB2_17-.Ltmp10, $4  }
0xe5: {  	_ = 	snop  }
0xe6: {  	_ =	swait.ge [sflag:s26], $0x3000  }
0xe7: {  	[sflag:s26] =	ssyncset.done $0x0  }
0xe8: {  	[sflag:s26] =	ssyncadd.s32 $0xFFFFD000  }
0xe9: {  	s7 =	sshrl.u32 s6, $0x3  }
0xea: {  	s13 =	sadd.s32 s23, s7  }
0xeb: {  	[tilespmem:s3], [sflag:$0x9] =	stream.linear.gather [hbm4b:s13+s3], $0x60, $0x38;
	v63 =	vld [tilespmem:$0x0]  }
0xec: {  	s7 =	sadd.s32 s24, s7  }
0xed: {  	[tilespmem:s0], [sflag:$0x9] =	stream.linear.gather [hbm4b:s7+s3], $0x60, $0x38;
	v63 =	vld [tilespmem:$0x0]  }
.LBB2_12:
0xee: {  	p0 =	sgt.u32 s5, $0x69  }
.Ltmp11:
0xef: {  	_ = 	snop;
	(pc) =	sbr.rel @p0 .LBB2_14-.Ltmp11, $4  }
.Ltmp12:
0xf0: {  	_ = 	snop;
	(pc) =	sbr.rel @!p0 .LBB2_13-.Ltmp12, $4  }
0xf1: {  	_ = 	snop  }
0xf2: {  	_ = 	snop  }
0xf3: {  	_ = 	snop  }
0xf4: {  	_ = 	snop  }
.LBB2_16:
0xf5: {  	_ =	sfence.sel $0x180000  }
0xf6: {  	[bflag:$0x0] =	sbarrier.arrive $0xFFFF  }
0xf7: {  	_ =	strace $0x90000047  }
0xf8: {  	s0 =	stileid.u32;
	[bflag:$0x2] =	sbarrier.arrive $0xFFFF  }
0xf9: {  	p0 =	sne.s32 s0, $0x0;
	s0 =	rddreg [dreg:$0x3]  }
0xfa: {  	s0 =	sadd.s32 @!p0 $0x100000, s0  }
0xfb: {  	[sflag:s0] =	ssyncadd.tile.s32 @!p0 $0x1;
	_ =	shalt  }
.Lfunc_end2:
_tile_overlayer_lowered:
.L_overlay_start_2:
0xfc: {  	(tag) =	ssettag $0x2  }
0xfd: {  	s0 =	rddreg [dreg:$0x0];
	s2 =	stileid.u32  }
0xfe: {  	s1 =	rddreg [dreg:$0x1];
	p0 =	sne.s32 s2, $0x0  }
0xff: {  	s3 =	rddreg [dreg:$0x2];
	[bflag:$0x3] =	sbarrier.arrive $0xFFFF;
	s2 =	simm.s32 @!p0 $0x1C0D  }
0x100: {  	[timem:s3], [sflag:s2] =	dma.local @!p0 [hbm:s0], s1  }
0x101: {  	s0 =	simm.s32 @!p0 $0xD  }
0x102: {  	_ =	swait.ge @!p0 [sflag:s0], s1  }
0x103: {  	s1 =	ssub.s32 @!p0 $0x0, s1;
	[sflag:s0] =	ssyncset.done @!p0 $0x0  }
0x104: {  	[sflag:s0] =	ssyncadd.s32 @!p0 s1  }
0x105: {  	[bflag:$0x3] =	sbarrier.arrive $0xFFFF  }
0x106: {  	_ =	shalt  }

</sc_bundles>
